<compile_context>
chip_gen: v7x
topology: tpu7x:2x2x1
jax: 0.10.2.dev20260603
libtpu: 0.0.44.dev20260713+nightly
codegen_flags: <defaults>
</compile_context>

<pallas_src>
import functools

import jax
import jax.numpy as jnp
from jax import lax
from jax.experimental import pallas as pl
from jax.experimental.pallas import tpu as pltpu
from jax.experimental.pallas import tpu_sc as plsc

N_NODES = 10000
N_EDGES = 320000
D_IN = 128
D_HID = 128
D_OUT = 2

NUM_CORES = 2
NUM_SUBCORES = 16
NW = NUM_CORES * NUM_SUBCORES
EDGES_PER_TILE = N_EDGES // NW
CHUNK = 128
FULL_CHUNKS = EDGES_PER_TILE // CHUNK
TAIL = EDGES_PER_TILE - FULL_CHUNKS * CHUNK
T2_LEN = 2 * N_NODES
VECS_PER_TILE = EDGES_PER_TILE // 16

_MESH = plsc.VectorSubcoreMesh(
    core_axis_name="c", subcore_axis_name="s",
    num_cores=NUM_CORES, num_subcores=NUM_SUBCORES)


@functools.partial(
    pl.kernel, mesh=_MESH,
    out_type=[
        jax.ShapeDtypeStruct((NUM_CORES, N_NODES, D_IN), jnp.float32),
        jax.ShapeDtypeStruct((NW, N_NODES), jnp.float32),
    ],
    scratch_types=[
        pltpu.VMEM((CHUNK,), jnp.int32),
        pltpu.VMEM((CHUNK,), jnp.int32),
        pltpu.VMEM((CHUNK,), jnp.int32),
        pltpu.VMEM((CHUNK,), jnp.int32),
        pltpu.VMEM((TAIL,), jnp.int32),
        pltpu.VMEM((TAIL,), jnp.int32),
        pltpu.VMEM((CHUNK, D_IN), jnp.float32),
        pltpu.VMEM((CHUNK, D_IN), jnp.float32),
        pltpu.VMEM((TAIL, D_IN), jnp.float32),
        pltpu.VMEM((N_NODES,), jnp.float32),
        pltpu.VMEM_SHARED((N_NODES, D_IN), jnp.float32),
        pltpu.SemaphoreType.DMA,
        pltpu.SemaphoreType.DMA,
        pltpu.SemaphoreType.DMA,
        pltpu.SemaphoreType.DMA,
    ],
    compiler_params=pltpu.CompilerParams(needs_layout_passes=False),
    name="sage_agg1")
def _agg1(x_hbm, src2_hbm, dst2_hbm, zerosf_hbm, zerosd_hbm,
          feat_out, deg_out, src_a, src_b, dst_a, dst_b, src_t, dst_t,
          rows_a, rows_b, rows_t, deg_v, accf_s,
          sem_ga, sem_gb, sem_ia, sem_ib):
    cid = lax.axis_index("c")
    sid = lax.axis_index("s")
    wid = cid * NUM_SUBCORES + sid

    @pl.when(sid < 5)
    def _init():
        seg = pl.ds(sid * 2000, 2000)
        pltpu.sync_copy(zerosf_hbm.at[seg], accf_s.at[seg])
    pltpu.sync_copy(zerosd_hbm, deg_v)
    plsc.subcore_barrier()

    ones16 = jnp.full((16,), 1.0, jnp.float32)

    def deg_chunk(dref, n):
        for k in range(n // 16):
            plsc.addupdate_scatter(deg_v, [dref[pl.ds(k * 16, 16)]], ones16)

    def fire_idx(j, sref, dref, sem):
        pltpu.async_copy(src2_hbm.at[wid, pl.ds(j * CHUNK, CHUNK)], sref, sem)
        pltpu.async_copy(dst2_hbm.at[wid, pl.ds(j * CHUNK, CHUNK)], dref, sem)

    def wait_idx(j, sref, dref, sem):
        pltpu.make_async_copy(src2_hbm.at[wid, pl.ds(j * CHUNK, CHUNK)],
                              sref, sem).wait()
        pltpu.make_async_copy(dst2_hbm.at[wid, pl.ds(j * CHUNK, CHUNK)],
                              dref, sem).wait()

    pltpu.sync_copy(src2_hbm.at[wid, pl.ds(0, CHUNK)], src_a)
    pltpu.sync_copy(dst2_hbm.at[wid, pl.ds(0, CHUNK)], dst_a)
    pltpu.async_copy(x_hbm.at[src_a], rows_a, sem_ga)
    fire_idx(1, src_b, dst_b, sem_ib)

    def body(i, carry):
        j0 = 2 * i
        wait_idx(j0 + 1, src_b, dst_b, sem_ib)
        pltpu.async_copy(x_hbm.at[src_b], rows_b, sem_gb)
        pltpu.make_async_copy(x_hbm.at[src_a], rows_a, sem_ga).wait()
        deg_chunk(dst_a, CHUNK)
        pltpu.sync_copy(rows_a, accf_s.at[dst_a], add=True)

        @pl.when(j0 + 2 < FULL_CHUNKS)
        def _fire_a():
            fire_idx(j0 + 2, src_a, dst_a, sem_ia)
        pltpu.make_async_copy(x_hbm.at[src_b], rows_b, sem_gb).wait()
        deg_chunk(dst_b, CHUNK)

        @pl.when(j0 + 2 < FULL_CHUNKS)
        def _gather_a():
            wait_idx(j0 + 2, src_a, dst_a, sem_ia)
            pltpu.async_copy(x_hbm.at[src_a], rows_a, sem_ga)
        pltpu.sync_copy(rows_b, accf_s.at[dst_b], add=True)

        @pl.when(j0 + 3 < FULL_CHUNKS)
        def _fire_b():
            fire_idx(j0 + 3, src_b, dst_b, sem_ib)
        return carry

    lax.fori_loop(0, FULL_CHUNKS // 2, body, 0)

    toff = FULL_CHUNKS * CHUNK
    pltpu.sync_copy(src2_hbm.at[wid, pl.ds(toff, TAIL)], src_t)
    pltpu.sync_copy(dst2_hbm.at[wid, pl.ds(toff, TAIL)], dst_t)
    pltpu.async_copy(x_hbm.at[src_t], rows_t, sem_ga).wait()
    deg_chunk(dst_t, TAIL)
    pltpu.sync_copy(rows_t, accf_s.at[dst_t], add=True)

    pltpu.sync_copy(deg_v, deg_out.at[wid])
    plsc.subcore_barrier()

    @pl.when(sid < 5)
    def _flush():
        seg = pl.ds(sid * 2000, 2000)
        pltpu.sync_copy(accf_s.at[seg], feat_out.at[cid, seg])


@functools.partial(
    pl.kernel, mesh=_MESH,
    out_type=jax.ShapeDtypeStruct((NW, T2_LEN), jnp.float32),
    scratch_types=[
        pltpu.VMEM((EDGES_PER_TILE,), jnp.int32),
        pltpu.VMEM((EDGES_PER_TILE,), jnp.int32),
        pltpu.VMEM((T2_LEN,), jnp.float32),
        pltpu.VMEM((T2_LEN,), jnp.float32),
        pltpu.SemaphoreType.DMA,
    ],
    compiler_params=pltpu.CompilerParams(needs_layout_passes=False),
    name="sage_agg2")
def _agg2(t2a_hbm, t2b_hbm, srcf_hbm, dstf_hbm, zeros2_hbm,
          q_out, src_v, dst_v, t2_v, acc_v, sem):
    cid = lax.axis_index("c")
    sid = lax.axis_index("s")
    wid = cid * NUM_SUBCORES + sid

    pltpu.async_copy(t2a_hbm, t2_v.at[pl.ds(0, N_NODES)], sem)
    pltpu.async_copy(t2b_hbm, t2_v.at[pl.ds(N_NODES, N_NODES)], sem)
    pltpu.async_copy(zeros2_hbm, acc_v, sem)
    pltpu.async_copy(srcf_hbm.at[wid], src_v, sem)
    pltpu.async_copy(dstf_hbm.at[wid], dst_v, sem)
    pltpu.make_async_copy(t2a_hbm, t2_v.at[pl.ds(0, N_NODES)], sem).wait()
    pltpu.make_async_copy(t2b_hbm, t2_v.at[pl.ds(N_NODES, N_NODES)],
                          sem).wait()
    pltpu.make_async_copy(zeros2_hbm, acc_v, sem).wait()
    pltpu.make_async_copy(srcf_hbm.at[wid], src_v, sem).wait()
    pltpu.make_async_copy(dstf_hbm.at[wid], dst_v, sem).wait()

    plane = jnp.full((16,), N_NODES, jnp.int32)

    def body(i, carry):
        s16 = src_v[pl.ds(i * 16, 16)]
        d16 = dst_v[pl.ds(i * 16, 16)]
        v0 = plsc.load_gather(t2_v, [s16])
        plsc.addupdate_scatter(acc_v, [d16], v0)
        v1 = plsc.load_gather(t2_v, [s16 + plane])
        plsc.addupdate_scatter(acc_v, [d16 + plane], v1)
        return carry

    lax.fori_loop(0, VECS_PER_TILE, body, 0)
    pltpu.sync_copy(acc_v, q_out.at[wid])


ROWS_BLK = 1000
N_BLKS = N_NODES // ROWS_BLK


def _layer1_body(p0, p1, dpt, x, w1l, w1r, b1, w2cat, b2, t2a, t2b, t2r):
    deg = jnp.maximum(jnp.sum(dpt[...], axis=1, keepdims=True), 1.0)
    mean = (p0[...] + p1[...]) / deg
    hl = lax.dot_general(mean, w1l[...], (((1,), (1,)), ((), ())),
                         preferred_element_type=jnp.float32)
    hr = lax.dot_general(x[...], w1r[...], (((1,), (1,)), ((), ())),
                         preferred_element_type=jnp.float32)
    h = jnp.maximum(hl + hr + b1[...], 0.0)
    o = lax.dot_general(h, w2cat[...], (((1,), (1,)), ((), ())),
                        preferred_element_type=jnp.float32)
    t2a[...] = o[:, 0:1]
    t2b[...] = o[:, 1:2]
    t2r[...] = o[:, 2:4] + b2[...]


def _layer1_tc(p0, p1, dpt, x, w1l, w1r, b1, w2cat, b2):
    blk = lambda w: pl.BlockSpec((ROWS_BLK, w), lambda i: (i, 0))
    full = lambda a: pl.BlockSpec(a.shape, lambda i: (0,) * a.ndim)
    return pl.pallas_call(
        _layer1_body,
        grid=(N_BLKS,),
        in_specs=[blk(D_IN), blk(D_IN), blk(NW), blk(D_IN),
                  full(w1l), full(w1r), full(b1), full(w2cat), full(b2)],
        out_specs=[blk(1), blk(1), blk(D_OUT)],
        out_shape=[jax.ShapeDtypeStruct((N_NODES, 1), jnp.float32),
                   jax.ShapeDtypeStruct((N_NODES, 1), jnp.float32),
                   jax.ShapeDtypeStruct((N_NODES, D_OUT), jnp.float32)],
    )(p0, p1, dpt, x, w1l, w1r, b1, w2cat, b2)


def _final_body(qbt, dpt, t2r, out):
    deg = jnp.maximum(jnp.sum(dpt[...], axis=1, keepdims=True), 1.0)
    q0 = jnp.sum(qbt[:, :NW], axis=1, keepdims=True)
    q1 = jnp.sum(qbt[:, NW:], axis=1, keepdims=True)
    out[...] = jnp.concatenate([q0, q1], axis=1) / deg + t2r[...]


def _final_tc(qbt, dpt, t2r):
    blk = lambda w: pl.BlockSpec((ROWS_BLK, w), lambda i: (i, 0))
    return pl.pallas_call(
        _final_body,
        grid=(N_BLKS,),
        in_specs=[blk(2 * NW), blk(NW), blk(D_OUT)],
        out_specs=blk(D_OUT),
        out_shape=jax.ShapeDtypeStruct((N_NODES, D_OUT), jnp.float32),
    )(qbt, dpt, t2r)


def kernel(x, edge_index, W1_l, W1_r, b1, W2_l, W2_r, b2):
    src = edge_index[0].astype(jnp.int32)
    dst = edge_index[1].astype(jnp.int32)

    zeros_feat = jnp.zeros((N_NODES, D_IN), jnp.float32)
    zeros_deg = jnp.zeros((N_NODES,), jnp.float32)
    zeros_t2 = jnp.zeros((T2_LEN,), jnp.float32)

    w2cat = jnp.concatenate([W2_l, W2_r], axis=0)
    b2r = b2.reshape(1, D_OUT)

    src2 = src.reshape(NW, EDGES_PER_TILE)
    dst2 = dst.reshape(NW, EDGES_PER_TILE)

    feat_p, deg_p = _agg1(x, src2, dst2, zeros_feat, zeros_deg)
    dpt = deg_p.T

    t2a, t2b, t2r = _layer1_tc(feat_p[0], feat_p[1], dpt, x,
                               W1_l, W1_r, b1.reshape(1, D_HID), w2cat, b2r)

    q_p = _agg2(t2a.reshape(N_NODES), t2b.reshape(N_NODES),
                src2, dst2, zeros_t2)
    qbt = jnp.concatenate(
        [q_p[:, :N_NODES], q_p[:, N_NODES:]], axis=0).T

    return _final_tc(qbt, dpt, t2r)

# --- scband reference (transcript-rebuilt; emitter-appended) ---
"""Pipeline reference for scband-gnnclassifier-61710090109037 (READ-ONLY COPY).

The authoritative reference and input builder live on the scoring server;
editing this copy changes nothing except your own understanding.
"""

import jax, jax.numpy as jnp
import numpy as np

N_NODES = 10000
N_EDGES = 320000
IN_DIM = 128
HID_DIM = 128
OUT_DIM = 2


def setup_inputs(seed: int = 0) -> dict:
    key = jax.random.key(seed)
    k = jax.random.split(key, 8)
    x = jax.random.normal(k[0], (N_NODES, IN_DIM), dtype=jnp.float32)
    edge_index = jax.random.randint(k[1], (2, N_EDGES), 0, N_NODES, dtype=jnp.int64)
    s1 = 1.0 / np.sqrt(IN_DIM)
    s2 = 1.0 / np.sqrt(HID_DIM)
    W1_l = jax.random.uniform(k[2], (HID_DIM, IN_DIM), minval=-s1, maxval=s1, dtype=jnp.float32)
    W1_r = jax.random.uniform(k[3], (HID_DIM, IN_DIM), minval=-s1, maxval=s1, dtype=jnp.float32)
    b1 = jnp.zeros((HID_DIM,), dtype=jnp.float32)
    W2_l = jax.random.uniform(k[4], (OUT_DIM, HID_DIM), minval=-s2, maxval=s2, dtype=jnp.float32)
    W2_r = jax.random.uniform(k[5], (OUT_DIM, HID_DIM), minval=-s2, maxval=s2, dtype=jnp.float32)
    b2 = jnp.zeros((OUT_DIM,), dtype=jnp.float32)
    return {"x": x, "edge_index": edge_index, "W1_l": W1_l, "W1_r": W1_r, "b1": b1,
            "W2_l": W2_l, "W2_r": W2_r, "b2": b2}


def _sage_conv(x, src, dst, W_l, W_r, b, num_nodes):
    # PyG SAGEConv (aggr='mean', root_weight=True):
    #   out_i = W_l @ mean_{j in N(i)} x_j + W_r @ x_i + b
    msgs = jnp.take(x, src, axis=0)                                  # gather source feats
    summed = jax.ops.segment_sum(msgs, dst, num_segments=num_nodes)  # scatter-add by dst
    ones = jnp.ones((src.shape[0],), dtype=x.dtype)
    deg = jax.ops.segment_sum(ones, dst, num_segments=num_nodes)
    mean = summed / jnp.maximum(deg, 1.0)[:, None]
    return mean @ W_l.T + x @ W_r.T + b


def reference(x, edge_index, W1_l, W1_r, b1, W2_l, W2_r, b2):
    src = edge_index[0]
    dst = edge_index[1]
    n = x.shape[0]
    h = _sage_conv(x, src, dst, W1_l, W1_r, b1, n)
    h = jax.nn.relu(h)
    # dropout is identity in eval mode
    out = _sage_conv(h, src, dst, W2_l, W2_r, b2, n)
    return out

if __name__ == "__main__":
    import jax
    _d = setup_inputs()
    print(jax.jit(kernel)(*tuple(_d.values())))

</pallas_src>

<mosaic_0001>
#map = affine_map<(d0, d1) -> (0, 0)>
#map1 = affine_map<(d0, d1) -> (0)>
#map2 = affine_map<(d0, d1) -> (0, 0, 0)>
module attributes {stable_mosaic.version = 14 : i64} {
  func.func @sage_agg1(%arg0: i32, %arg1: i32, %arg2: memref<10000x128xf32, #tpu.memory_space<hbm>>, %arg3: memref<32x10000xi32, #tpu.memory_space<hbm>>, %arg4: memref<32x10000xi32, #tpu.memory_space<hbm>>, %arg5: memref<10000x128xf32, #tpu.memory_space<hbm>>, %arg6: memref<10000xf32, #tpu.memory_space<hbm>>, %arg7: memref<2x10000x128xf32, #tpu.memory_space<hbm>>, %arg8: memref<32x10000xf32, #tpu.memory_space<hbm>>, %arg9: memref<128xi32, #tpu.memory_space<vmem>>, %arg10: memref<128xi32, #tpu.memory_space<vmem>>, %arg11: memref<128xi32, #tpu.memory_space<vmem>>, %arg12: memref<128xi32, #tpu.memory_space<vmem>>, %arg13: memref<16xi32, #tpu.memory_space<vmem>>, %arg14: memref<16xi32, #tpu.memory_space<vmem>>, %arg15: memref<128x128xf32, #tpu.memory_space<vmem>>, %arg16: memref<128x128xf32, #tpu.memory_space<vmem>>, %arg17: memref<16x128xf32, #tpu.memory_space<vmem>>, %arg18: memref<10000xf32, #tpu.memory_space<vmem>>, %arg19: memref<10000x128xf32, #tpu.memory_space<vmem_shared>>, %arg20: memref<!tpu.dma_semaphore, #tpu.memory_space<semaphore_mem>>, %arg21: memref<!tpu.dma_semaphore, #tpu.memory_space<semaphore_mem>>, %arg22: memref<!tpu.dma_semaphore, #tpu.memory_space<semaphore_mem>>, %arg23: memref<!tpu.dma_semaphore, #tpu.memory_space<semaphore_mem>>) attributes {dimension_semantics = [#tpu.dimension_semantics<core_parallel>, #tpu.dimension_semantics<subcore_parallel>], iteration_bounds = array<i64: 2, 16>, scalar_prefetch = 0 : i64, scratch_operands = 15 : i64, tpu.core_type = #tpu.core_type<sc_vector_subcore>, window_params = [{transform_indices = #map}, {transform_indices = #map}, {transform_indices = #map}, {transform_indices = #map}, {transform_indices = #map1}, {transform_indices = #map2}, {transform_indices = #map}]} {
    %mul3A = arith.constant 16 : i32
    %mul3A_0 = arith.muli %arg0, %mul3A : i32
    %add3A = arith.addi %mul3A_0, %arg1 : i32
    %lt3A = arith.constant 5 : i32
    %lt3A_1 = arith.cmpi slt, %arg1, %lt3A : i32
    %convert_element_type3A = arith.extui %lt3A_1 : i1 to i32
    %cond3A = arith.constant 0 : i32
    %cond3A_2 = arith.cmpi ne, %convert_element_type3A, %cond3A : i32
    scf.if %cond3A_2 {
      %mul3A_35 = arith.constant 2000 : i32
      %mul3A_36 = arith.muli %arg1, %mul3A_35 : i32
      "tpu.region"() ({
        %run_scoped3A = tpu.sem_alloc : memref<!tpu.dma_semaphore, #tpu.memory_space<semaphore_mem>>
        %dma_start3A_37 = arith.constant 0 : i32
        %dma_start3A_38 = tpu.memref_slice %arg19[%mul3A_36, %dma_start3A_37] : memref<10000x128xf32, #tpu.memory_space<vmem_shared>> -> memref<2000x128xf32, #tpu.memory_space<vmem_shared>>
        %dma_start3A_39 = arith.constant 0 : i32
        %dma_start3A_40 = tpu.memref_slice %arg5[%mul3A_36, %dma_start3A_39] : memref<10000x128xf32, #tpu.memory_space<hbm>> -> memref<2000x128xf32, #tpu.memory_space<hbm>>
        tpu.enqueue_dma source(%dma_start3A_40 : memref<2000x128xf32, #tpu.memory_space<hbm>>) target(%dma_start3A_38 : memref<2000x128xf32, #tpu.memory_space<vmem_shared>>) target_semaphore(%run_scoped3A : memref<!tpu.dma_semaphore, #tpu.memory_space<semaphore_mem>>)
        %dma_wait3A_41 = arith.constant 0 : i32
        %dma_wait3A_42 = tpu.memref_slice %arg19[%mul3A_36, %dma_wait3A_41] : memref<10000x128xf32, #tpu.memory_space<vmem_shared>> -> memref<2000x128xf32, #tpu.memory_space<vmem_shared>>
        %dma_wait3A_43 = arith.constant 0 : i32
        %dma_wait3A_44 = tpu.memref_slice %arg5[%mul3A_36, %dma_wait3A_43] : memref<10000x128xf32, #tpu.memory_space<hbm>> -> memref<2000x128xf32, #tpu.memory_space<hbm>>
        tpu.wait_dma2 semaphore(%run_scoped3A : memref<!tpu.dma_semaphore, #tpu.memory_space<semaphore_mem>>) src(%dma_wait3A_44 : memref<2000x128xf32, #tpu.memory_space<hbm>>) dst(%dma_wait3A_42 : memref<2000x128xf32, #tpu.memory_space<vmem_shared>>)
        tpu.yield
      }) : () -> ()
    } else {
    }
    "tpu.region"() ({
      %run_scoped3A = tpu.sem_alloc : memref<!tpu.dma_semaphore, #tpu.memory_space<semaphore_mem>>
      tpu.enqueue_dma source(%arg6 : memref<10000xf32, #tpu.memory_space<hbm>>) target(%arg18 : memref<10000xf32, #tpu.memory_space<vmem>>) target_semaphore(%run_scoped3A : memref<!tpu.dma_semaphore, #tpu.memory_space<semaphore_mem>>)
      tpu.wait_dma2 semaphore(%run_scoped3A : memref<!tpu.dma_semaphore, #tpu.memory_space<semaphore_mem>>) src(%arg6 : memref<10000xf32, #tpu.memory_space<hbm>>) dst(%arg18 : memref<10000xf32, #tpu.memory_space<vmem>>)
      tpu.yield
    }) : () -> ()
    %barrier3A = arith.constant 0 : index
    tpu.barrier barrier_id(%barrier3A)
    %broadcast_in_dim3A = arith.constant 1.000000e+00 : f32
    %broadcast_in_dim3A_3 = vector.broadcast %broadcast_in_dim3A : f32 to vector<16xf32>
    "tpu.region"() ({
      %run_scoped3A = tpu.sem_alloc : memref<!tpu.dma_semaphore, #tpu.memory_space<semaphore_mem>>
      %dma_start3A_35 = arith.constant 0 : i32
      %dma_start3A_36 = tpu.memref_slice %arg3[%add3A, %dma_start3A_35] : memref<32x10000xi32, #tpu.memory_space<hbm>> -> memref<1x128xi32, #tpu.memory_space<hbm>>
      %dma_start3A_37 = tpu.memref_squeeze %dma_start3A_36 : memref<1x128xi32, #tpu.memory_space<hbm>> -> memref<128xi32, #tpu.memory_space<hbm>>
      %dma_start3A_38 = arith.constant 0 : i32
      %dma_start3A_39 = tpu.memref_slice %arg3[%add3A, %dma_start3A_38] : memref<32x10000xi32, #tpu.memory_space<hbm>> -> memref<1x128xi32, #tpu.memory_space<hbm>>
      %dma_start3A_40 = tpu.memref_squeeze %dma_start3A_39 : memref<1x128xi32, #tpu.memory_space<hbm>> -> memref<128xi32, #tpu.memory_space<hbm>>
      tpu.enqueue_dma source(%dma_start3A_40 : memref<128xi32, #tpu.memory_space<hbm>>) target(%arg9 : memref<128xi32, #tpu.memory_space<vmem>>) target_semaphore(%run_scoped3A : memref<!tpu.dma_semaphore, #tpu.memory_space<semaphore_mem>>)
      %dma_wait3A_41 = arith.constant 0 : i32
      %dma_wait3A_42 = tpu.memref_slice %arg3[%add3A, %dma_wait3A_41] : memref<32x10000xi32, #tpu.memory_space<hbm>> -> memref<1x128xi32, #tpu.memory_space<hbm>>
      %dma_wait3A_43 = tpu.memref_squeeze %dma_wait3A_42 : memref<1x128xi32, #tpu.memory_space<hbm>> -> memref<128xi32, #tpu.memory_space<hbm>>
      %dma_wait3A_44 = arith.constant 0 : i32
      %dma_wait3A_45 = tpu.memref_slice %arg3[%add3A, %dma_wait3A_44] : memref<32x10000xi32, #tpu.memory_space<hbm>> -> memref<1x128xi32, #tpu.memory_space<hbm>>
      %dma_wait3A_46 = tpu.memref_squeeze %dma_wait3A_45 : memref<1x128xi32, #tpu.memory_space<hbm>> -> memref<128xi32, #tpu.memory_space<hbm>>
      tpu.wait_dma2 semaphore(%run_scoped3A : memref<!tpu.dma_semaphore, #tpu.memory_space<semaphore_mem>>) src(%dma_wait3A_46 : memref<128xi32, #tpu.memory_space<hbm>>) dst(%arg9 : memref<128xi32, #tpu.memory_space<vmem>>)
      tpu.yield
    }) : () -> ()
    "tpu.region"() ({
      %run_scoped3A = tpu.sem_alloc : memref<!tpu.dma_semaphore, #tpu.memory_space<semaphore_mem>>
      %dma_start3A_35 = arith.constant 0 : i32
      %dma_start3A_36 = tpu.memref_slice %arg4[%add3A, %dma_start3A_35] : memref<32x10000xi32, #tpu.memory_space<hbm>> -> memref<1x128xi32, #tpu.memory_space<hbm>>
      %dma_start3A_37 = tpu.memref_squeeze %dma_start3A_36 : memref<1x128xi32, #tpu.memory_space<hbm>> -> memref<128xi32, #tpu.memory_space<hbm>>
      %dma_start3A_38 = arith.constant 0 : i32
      %dma_start3A_39 = tpu.memref_slice %arg4[%add3A, %dma_start3A_38] : memref<32x10000xi32, #tpu.memory_space<hbm>> -> memref<1x128xi32, #tpu.memory_space<hbm>>
      %dma_start3A_40 = tpu.memref_squeeze %dma_start3A_39 : memref<1x128xi32, #tpu.memory_space<hbm>> -> memref<128xi32, #tpu.memory_space<hbm>>
      tpu.enqueue_dma source(%dma_start3A_40 : memref<128xi32, #tpu.memory_space<hbm>>) target(%arg11 : memref<128xi32, #tpu.memory_space<vmem>>) target_semaphore(%run_scoped3A : memref<!tpu.dma_semaphore, #tpu.memory_space<semaphore_mem>>)
      %dma_wait3A_41 = arith.constant 0 : i32
      %dma_wait3A_42 = tpu.memref_slice %arg4[%add3A, %dma_wait3A_41] : memref<32x10000xi32, #tpu.memory_space<hbm>> -> memref<1x128xi32, #tpu.memory_space<hbm>>
      %dma_wait3A_43 = tpu.memref_squeeze %dma_wait3A_42 : memref<1x128xi32, #tpu.memory_space<hbm>> -> memref<128xi32, #tpu.memory_space<hbm>>
      %dma_wait3A_44 = arith.constant 0 : i32
      %dma_wait3A_45 = tpu.memref_slice %arg4[%add3A, %dma_wait3A_44] : memref<32x10000xi32, #tpu.memory_space<hbm>> -> memref<1x128xi32, #tpu.memory_space<hbm>>
      %dma_wait3A_46 = tpu.memref_squeeze %dma_wait3A_45 : memref<1x128xi32, #tpu.memory_space<hbm>> -> memref<128xi32, #tpu.memory_space<hbm>>
      tpu.wait_dma2 semaphore(%run_scoped3A : memref<!tpu.dma_semaphore, #tpu.memory_space<semaphore_mem>>) src(%dma_wait3A_46 : memref<128xi32, #tpu.memory_space<hbm>>) dst(%arg11 : memref<128xi32, #tpu.memory_space<vmem>>)
      tpu.yield
    }) : () -> ()
    %dma_start3A = arith.constant 0 : i32
    %dma_start3A_4 = arith.constant 0 : i32
    %dma_start3A_5 = tpu.memref_slice %arg2[%dma_start3A, %dma_start3A_4] : memref<10000x128xf32, #tpu.memory_space<hbm>> -> memref<10000x128xf32, #tpu.memory_space<hbm>>
    tpu.enqueue_indirect_dma source(%dma_start3A_5 : memref<10000x128xf32, #tpu.memory_space<hbm>>) target(%arg15 : memref<128x128xf32, #tpu.memory_space<vmem>>) offsets(%arg9 : memref<128xi32, #tpu.memory_space<vmem>>) semaphore(%arg20 : memref<!tpu.dma_semaphore, #tpu.memory_space<semaphore_mem>>)
    %dma_start3A_6 = arith.constant 128 : i32
    %dma_start3A_7 = tpu.memref_slice %arg3[%add3A, %dma_start3A_6] : memref<32x10000xi32, #tpu.memory_space<hbm>> -> memref<1x128xi32, #tpu.memory_space<hbm>>
    %dma_start3A_8 = tpu.memref_squeeze %dma_start3A_7 : memref<1x128xi32, #tpu.memory_space<hbm>> -> memref<128xi32, #tpu.memory_space<hbm>>
    %dma_start3A_9 = arith.constant 128 : i32
    %dma_start3A_10 = tpu.memref_slice %arg3[%add3A, %dma_start3A_9] : memref<32x10000xi32, #tpu.memory_space<hbm>> -> memref<1x128xi32, #tpu.memory_space<hbm>>
    %dma_start3A_11 = tpu.memref_squeeze %dma_start3A_10 : memref<1x128xi32, #tpu.memory_space<hbm>> -> memref<128xi32, #tpu.memory_space<hbm>>
    tpu.enqueue_dma source(%dma_start3A_11 : memref<128xi32, #tpu.memory_space<hbm>>) target(%arg10 : memref<128xi32, #tpu.memory_space<vmem>>) target_semaphore(%arg23 : memref<!tpu.dma_semaphore, #tpu.memory_space<semaphore_mem>>)
    %dma_start3A_12 = arith.constant 128 : i32
    %dma_start3A_13 = tpu.memref_slice %arg4[%add3A, %dma_start3A_12] : memref<32x10000xi32, #tpu.memory_space<hbm>> -> memref<1x128xi32, #tpu.memory_space<hbm>>
    %dma_start3A_14 = tpu.memref_squeeze %dma_start3A_13 : memref<1x128xi32, #tpu.memory_space<hbm>> -> memref<128xi32, #tpu.memory_space<hbm>>
    %dma_start3A_15 = arith.constant 128 : i32
    %dma_start3A_16 = tpu.memref_slice %arg4[%add3A, %dma_start3A_15] : memref<32x10000xi32, #tpu.memory_space<hbm>> -> memref<1x128xi32, #tpu.memory_space<hbm>>
    %dma_start3A_17 = tpu.memref_squeeze %dma_start3A_16 : memref<1x128xi32, #tpu.memory_space<hbm>> -> memref<128xi32, #tpu.memory_space<hbm>>
    tpu.enqueue_dma source(%dma_start3A_17 : memref<128xi32, #tpu.memory_space<hbm>>) target(%arg12 : memref<128xi32, #tpu.memory_space<vmem>>) target_semaphore(%arg23 : memref<!tpu.dma_semaphore, #tpu.memory_space<semaphore_mem>>)
    %scan3A = arith.constant 0 : i32
    %scan3A_18 = arith.constant 0 : i32
    %scan3A_19 = arith.constant 39 : i32
    %scan3A_20 = arith.addi %scan3A_18, %scan3A_19 : i32
    %scan3A_21 = arith.constant 1 : i32
    scf.for %scan3A_35 = %scan3A_18 to %scan3A_20 step %scan3A_21  : i32 {
      %mul3A_36 = arith.constant 2 : i32
      %mul3A_37 = arith.muli %mul3A_36, %scan3A_35 : i32
      %add3A_38 = arith.constant 1 : i32
      %add3A_39 = arith.addi %mul3A_37, %add3A_38 : i32
      %mul3A_40 = arith.constant 128 : i32
      %mul3A_41 = arith.muli %add3A_39, %mul3A_40 : i32
      %dma_wait3A_42 = tpu.memref_slice %arg3[%add3A, %mul3A_41] : memref<32x10000xi32, #tpu.memory_space<hbm>> -> memref<1x128xi32, #tpu.memory_space<hbm>>
      %dma_wait3A_43 = tpu.memref_squeeze %dma_wait3A_42 : memref<1x128xi32, #tpu.memory_space<hbm>> -> memref<128xi32, #tpu.memory_space<hbm>>
      %dma_wait3A_44 = tpu.memref_slice %arg3[%add3A, %mul3A_41] : memref<32x10000xi32, #tpu.memory_space<hbm>> -> memref<1x128xi32, #tpu.memory_space<hbm>>
      %dma_wait3A_45 = tpu.memref_squeeze %dma_wait3A_44 : memref<1x128xi32, #tpu.memory_space<hbm>> -> memref<128xi32, #tpu.memory_space<hbm>>
      tpu.wait_dma2 semaphore(%arg23 : memref<!tpu.dma_semaphore, #tpu.memory_space<semaphore_mem>>) src(%dma_wait3A_45 : memref<128xi32, #tpu.memory_space<hbm>>) dst(%arg10 : memref<128xi32, #tpu.memory_space<vmem>>)
      %mul3A_46 = arith.constant 128 : i32
      %mul3A_47 = arith.muli %add3A_39, %mul3A_46 : i32
      %dma_wait3A_48 = tpu.memref_slice %arg4[%add3A, %mul3A_47] : memref<32x10000xi32, #tpu.memory_space<hbm>> -> memref<1x128xi32, #tpu.memory_space<hbm>>
      %dma_wait3A_49 = tpu.memref_squeeze %dma_wait3A_48 : memref<1x128xi32, #tpu.memory_space<hbm>> -> memref<128xi32, #tpu.memory_space<hbm>>
      %dma_wait3A_50 = tpu.memref_slice %arg4[%add3A, %mul3A_47] : memref<32x10000xi32, #tpu.memory_space<hbm>> -> memref<1x128xi32, #tpu.memory_space<hbm>>
      %dma_wait3A_51 = tpu.memref_squeeze %dma_wait3A_50 : memref<1x128xi32, #tpu.memory_space<hbm>> -> memref<128xi32, #tpu.memory_space<hbm>>
      tpu.wait_dma2 semaphore(%arg23 : memref<!tpu.dma_semaphore, #tpu.memory_space<semaphore_mem>>) src(%dma_wait3A_51 : memref<128xi32, #tpu.memory_space<hbm>>) dst(%arg12 : memref<128xi32, #tpu.memory_space<vmem>>)
      %dma_start3A_52 = arith.constant 0 : i32
      %dma_start3A_53 = arith.constant 0 : i32
      %dma_start3A_54 = tpu.memref_slice %arg2[%dma_start3A_52, %dma_start3A_53] : memref<10000x128xf32, #tpu.memory_space<hbm>> -> memref<10000x128xf32, #tpu.memory_space<hbm>>
      tpu.enqueue_indirect_dma source(%dma_start3A_54 : memref<10000x128xf32, #tpu.memory_space<hbm>>) target(%arg16 : memref<128x128xf32, #tpu.memory_space<vmem>>) offsets(%arg10 : memref<128xi32, #tpu.memory_space<vmem>>) semaphore(%arg21 : memref<!tpu.dma_semaphore, #tpu.memory_space<semaphore_mem>>)
      %dma_wait3A_55 = arith.constant 0 : i32
      %dma_wait3A_56 = arith.constant 0 : i32
      %dma_wait3A_57 = tpu.memref_slice %arg2[%dma_wait3A_55, %dma_wait3A_56] : memref<10000x128xf32, #tpu.memory_space<hbm>> -> memref<10000x128xf32, #tpu.memory_space<hbm>>
      tpu.wait_indirect_dma semaphore(%arg20 : memref<!tpu.dma_semaphore, #tpu.memory_space<semaphore_mem>>) src(%dma_wait3A_57 : memref<10000x128xf32, #tpu.memory_space<hbm>>) dst(%arg15 : memref<128x128xf32, #tpu.memory_space<vmem>>)
      %get3A_58 = arith.constant 0 : index
      %get3A_59 = tpu.vector_load %arg11[%get3A_58] {strides = array<i32>} : memref<128xi32, #tpu.memory_space<vmem>>, vector<16xi32>,
      tpu.vector_store_idx %arg18[%get3A_59], %broadcast_in_dim3A_3 {add = true} : memref<10000xf32, #tpu.memory_space<vmem>>[vector<16xi32>], vector<16xf32>,
      %get3A_60 = arith.constant 16 : index
      %get3A_61 = tpu.vector_load %arg11[%get3A_60] {strides = array<i32>} : memref<128xi32, #tpu.memory_space<vmem>>, vector<16xi32>,
      tpu.vector_store_idx %arg18[%get3A_61], %broadcast_in_dim3A_3 {add = true} : memref<10000xf32, #tpu.memory_space<vmem>>[vector<16xi32>], vector<16xf32>,
      %get3A_62 = arith.constant 32 : index
      %get3A_63 = tpu.vector_load %arg11[%get3A_62] {strides = array<i32>} : memref<128xi32, #tpu.memory_space<vmem>>, vector<16xi32>,
      tpu.vector_store_idx %arg18[%get3A_63], %broadcast_in_dim3A_3 {add = true} : memref<10000xf32, #tpu.memory_space<vmem>>[vector<16xi32>], vector<16xf32>,
      %get3A_64 = arith.constant 48 : index
      %get3A_65 = tpu.vector_load %arg11[%get3A_64] {strides = array<i32>} : memref<128xi32, #tpu.memory_space<vmem>>, vector<16xi32>,
      tpu.vector_store_idx %arg18[%get3A_65], %broadcast_in_dim3A_3 {add = true} : memref<10000xf32, #tpu.memory_space<vmem>>[vector<16xi32>], vector<16xf32>,
      %get3A_66 = arith.constant 64 : index
      %get3A_67 = tpu.vector_load %arg11[%get3A_66] {strides = array<i32>} : memref<128xi32, #tpu.memory_space<vmem>>, vector<16xi32>,
      tpu.vector_store_idx %arg18[%get3A_67], %broadcast_in_dim3A_3 {add = true} : memref<10000xf32, #tpu.memory_space<vmem>>[vector<16xi32>], vector<16xf32>,
      %get3A_68 = arith.constant 80 : index
      %get3A_69 = tpu.vector_load %arg11[%get3A_68] {strides = array<i32>} : memref<128xi32, #tpu.memory_space<vmem>>, vector<16xi32>,
      tpu.vector_store_idx %arg18[%get3A_69], %broadcast_in_dim3A_3 {add = true} : memref<10000xf32, #tpu.memory_space<vmem>>[vector<16xi32>], vector<16xf32>,
      %get3A_70 = arith.constant 96 : index
      %get3A_71 = tpu.vector_load %arg11[%get3A_70] {strides = array<i32>} : memref<128xi32, #tpu.memory_space<vmem>>, vector<16xi32>,
      tpu.vector_store_idx %arg18[%get3A_71], %broadcast_in_dim3A_3 {add = true} : memref<10000xf32, #tpu.memory_space<vmem>>[vector<16xi32>], vector<16xf32>,
      %get3A_72 = arith.constant 112 : index
      %get3A_73 = tpu.vector_load %arg11[%get3A_72] {strides = array<i32>} : memref<128xi32, #tpu.memory_space<vmem>>, vector<16xi32>,
      tpu.vector_store_idx %arg18[%get3A_73], %broadcast_in_dim3A_3 {add = true} : memref<10000xf32, #tpu.memory_space<vmem>>[vector<16xi32>], vector<16xf32>,
      "tpu.region"() ({
        %run_scoped3A = tpu.sem_alloc : memref<!tpu.dma_semaphore, #tpu.memory_space<semaphore_mem>>
        %dma_start3A_114 = arith.constant 0 : i32
        %dma_start3A_115 = arith.constant 0 : i32
        %dma_start3A_116 = tpu.memref_slice %arg19[%dma_start3A_114, %dma_start3A_115] : memref<10000x128xf32, #tpu.memory_space<vmem_shared>> -> memref<10000x128xf32, #tpu.memory_space<vmem_shared>>
        tpu.enqueue_indirect_dma source(%arg15 : memref<128x128xf32, #tpu.memory_space<vmem>>) target(%dma_start3A_116 : memref<10000x128xf32, #tpu.memory_space<vmem_shared>>) offsets(%arg11 : memref<128xi32, #tpu.memory_space<vmem>>) semaphore(%run_scoped3A : memref<!tpu.dma_semaphore, #tpu.memory_space<semaphore_mem>>) {add = true}
        %dma_wait3A_117 = arith.constant 0 : i32
        %dma_wait3A_118 = arith.constant 0 : i32
        %dma_wait3A_119 = tpu.memref_slice %arg19[%dma_wait3A_117, %dma_wait3A_118] : memref<10000x128xf32, #tpu.memory_space<vmem_shared>> -> memref<10000x128xf32, #tpu.memory_space<vmem_shared>>
        tpu.wait_indirect_dma semaphore(%run_scoped3A : memref<!tpu.dma_semaphore, #tpu.memory_space<semaphore_mem>>) src(%arg15 : memref<128x128xf32, #tpu.memory_space<vmem>>) dst(%dma_wait3A_119 : memref<10000x128xf32, #tpu.memory_space<vmem_shared>>)
        tpu.yield
      }) : () -> ()
      %add3A_74 = arith.constant 2 : i32
      %add3A_75 = arith.addi %mul3A_37, %add3A_74 : i32
      %lt3A_76 = arith.constant 78 : i32
      %lt3A_77 = arith.cmpi slt, %add3A_75, %lt3A_76 : i32
      %convert_element_type3A_78 = arith.extui %lt3A_77 : i1 to i32
      %cond3A_79 = arith.constant 0 : i32
      %cond3A_80 = arith.cmpi ne, %convert_element_type3A_78, %cond3A_79 : i32
      scf.if %cond3A_80 {
        %add3A_114 = arith.constant 2 : i32
        %add3A_115 = arith.addi %mul3A_37, %add3A_114 : i32
        %mul3A_116 = arith.constant 128 : i32
        %mul3A_117 = arith.muli %add3A_115, %mul3A_116 : i32
        %dma_start3A_118 = tpu.memref_slice %arg3[%add3A, %mul3A_117] : memref<32x10000xi32, #tpu.memory_space<hbm>> -> memref<1x128xi32, #tpu.memory_space<hbm>>
        %dma_start3A_119 = tpu.memref_squeeze %dma_start3A_118 : memref<1x128xi32, #tpu.memory_space<hbm>> -> memref<128xi32, #tpu.memory_space<hbm>>
        %dma_start3A_120 = tpu.memref_slice %arg3[%add3A, %mul3A_117] : memref<32x10000xi32, #tpu.memory_space<hbm>> -> memref<1x128xi32, #tpu.memory_space<hbm>>
        %dma_start3A_121 = tpu.memref_squeeze %dma_start3A_120 : memref<1x128xi32, #tpu.memory_space<hbm>> -> memref<128xi32, #tpu.memory_space<hbm>>
        tpu.enqueue_dma source(%dma_start3A_121 : memref<128xi32, #tpu.memory_space<hbm>>) target(%arg9 : memref<128xi32, #tpu.memory_space<vmem>>) target_semaphore(%arg22 : memref<!tpu.dma_semaphore, #tpu.memory_space<semaphore_mem>>)
        %mul3A_122 = arith.constant 128 : i32
        %mul3A_123 = arith.muli %add3A_115, %mul3A_122 : i32
        %dma_start3A_124 = tpu.memref_slice %arg4[%add3A, %mul3A_123] : memref<32x10000xi32, #tpu.memory_space<hbm>> -> memref<1x128xi32, #tpu.memory_space<hbm>>
        %dma_start3A_125 = tpu.memref_squeeze %dma_start3A_124 : memref<1x128xi32, #tpu.memory_space<hbm>> -> memref<128xi32, #tpu.memory_space<hbm>>
        %dma_start3A_126 = tpu.memref_slice %arg4[%add3A, %mul3A_123] : memref<32x10000xi32, #tpu.memory_space<hbm>> -> memref<1x128xi32, #tpu.memory_space<hbm>>
        %dma_start3A_127 = tpu.memref_squeeze %dma_start3A_126 : memref<1x128xi32, #tpu.memory_space<hbm>> -> memref<128xi32, #tpu.memory_space<hbm>>
        tpu.enqueue_dma source(%dma_start3A_127 : memref<128xi32, #tpu.memory_space<hbm>>) target(%arg11 : memref<128xi32, #tpu.memory_space<vmem>>) target_semaphore(%arg22 : memref<!tpu.dma_semaphore, #tpu.memory_space<semaphore_mem>>)
      } else {
      }
      %dma_wait3A_81 = arith.constant 0 : i32
      %dma_wait3A_82 = arith.constant 0 : i32
      %dma_wait3A_83 = tpu.memref_slice %arg2[%dma_wait3A_81, %dma_wait3A_82] : memref<10000x128xf32, #tpu.memory_space<hbm>> -> memref<10000x128xf32, #tpu.memory_space<hbm>>
      tpu.wait_indirect_dma semaphore(%arg21 : memref<!tpu.dma_semaphore, #tpu.memory_space<semaphore_mem>>) src(%dma_wait3A_83 : memref<10000x128xf32, #tpu.memory_space<hbm>>) dst(%arg16 : memref<128x128xf32, #tpu.memory_space<vmem>>)
      %get3A_84 = arith.constant 0 : index
      %get3A_85 = tpu.vector_load %arg12[%get3A_84] {strides = array<i32>} : memref<128xi32, #tpu.memory_space<vmem>>, vector<16xi32>,
      tpu.vector_store_idx %arg18[%get3A_85], %broadcast_in_dim3A_3 {add = true} : memref<10000xf32, #tpu.memory_space<vmem>>[vector<16xi32>], vector<16xf32>,
      %get3A_86 = arith.constant 16 : index
      %get3A_87 = tpu.vector_load %arg12[%get3A_86] {strides = array<i32>} : memref<128xi32, #tpu.memory_space<vmem>>, vector<16xi32>,
      tpu.vector_store_idx %arg18[%get3A_87], %broadcast_in_dim3A_3 {add = true} : memref<10000xf32, #tpu.memory_space<vmem>>[vector<16xi32>], vector<16xf32>,
      %get3A_88 = arith.constant 32 : index
      %get3A_89 = tpu.vector_load %arg12[%get3A_88] {strides = array<i32>} : memref<128xi32, #tpu.memory_space<vmem>>, vector<16xi32>,
      tpu.vector_store_idx %arg18[%get3A_89], %broadcast_in_dim3A_3 {add = true} : memref<10000xf32, #tpu.memory_space<vmem>>[vector<16xi32>], vector<16xf32>,
      %get3A_90 = arith.constant 48 : index
      %get3A_91 = tpu.vector_load %arg12[%get3A_90] {strides = array<i32>} : memref<128xi32, #tpu.memory_space<vmem>>, vector<16xi32>,
      tpu.vector_store_idx %arg18[%get3A_91], %broadcast_in_dim3A_3 {add = true} : memref<10000xf32, #tpu.memory_space<vmem>>[vector<16xi32>], vector<16xf32>,
      %get3A_92 = arith.constant 64 : index
      %get3A_93 = tpu.vector_load %arg12[%get3A_92] {strides = array<i32>} : memref<128xi32, #tpu.memory_space<vmem>>, vector<16xi32>,
      tpu.vector_store_idx %arg18[%get3A_93], %broadcast_in_dim3A_3 {add = true} : memref<10000xf32, #tpu.memory_space<vmem>>[vector<16xi32>], vector<16xf32>,
      %get3A_94 = arith.constant 80 : index
      %get3A_95 = tpu.vector_load %arg12[%get3A_94] {strides = array<i32>} : memref<128xi32, #tpu.memory_space<vmem>>, vector<16xi32>,
      tpu.vector_store_idx %arg18[%get3A_95], %broadcast_in_dim3A_3 {add = true} : memref<10000xf32, #tpu.memory_space<vmem>>[vector<16xi32>], vector<16xf32>,
      %get3A_96 = arith.constant 96 : index
      %get3A_97 = tpu.vector_load %arg12[%get3A_96] {strides = array<i32>} : memref<128xi32, #tpu.memory_space<vmem>>, vector<16xi32>,
      tpu.vector_store_idx %arg18[%get3A_97], %broadcast_in_dim3A_3 {add = true} : memref<10000xf32, #tpu.memory_space<vmem>>[vector<16xi32>], vector<16xf32>,
      %get3A_98 = arith.constant 112 : index
      %get3A_99 = tpu.vector_load %arg12[%get3A_98] {strides = array<i32>} : memref<128xi32, #tpu.memory_space<vmem>>, vector<16xi32>,
      tpu.vector_store_idx %arg18[%get3A_99], %broadcast_in_dim3A_3 {add = true} : memref<10000xf32, #tpu.memory_space<vmem>>[vector<16xi32>], vector<16xf32>,
      %add3A_100 = arith.constant 2 : i32
      %add3A_101 = arith.addi %mul3A_37, %add3A_100 : i32
      %lt3A_102 = arith.constant 78 : i32
      %lt3A_103 = arith.cmpi slt, %add3A_101, %lt3A_102 : i32
      %convert_element_type3A_104 = arith.extui %lt3A_103 : i1 to i32
      %cond3A_105 = arith.constant 0 : i32
      %cond3A_106 = arith.cmpi ne, %convert_element_type3A_104, %cond3A_105 : i32
      scf.if %cond3A_106 {
        %add3A_114 = arith.constant 2 : i32
        %add3A_115 = arith.addi %mul3A_37, %add3A_114 : i32
        %mul3A_116 = arith.constant 128 : i32
        %mul3A_117 = arith.muli %add3A_115, %mul3A_116 : i32
        %dma_wait3A_118 = tpu.memref_slice %arg3[%add3A, %mul3A_117] : memref<32x10000xi32, #tpu.memory_space<hbm>> -> memref<1x128xi32, #tpu.memory_space<hbm>>
        %dma_wait3A_119 = tpu.memref_squeeze %dma_wait3A_118 : memref<1x128xi32, #tpu.memory_space<hbm>> -> memref<128xi32, #tpu.memory_space<hbm>>
        %dma_wait3A_120 = tpu.memref_slice %arg3[%add3A, %mul3A_117] : memref<32x10000xi32, #tpu.memory_space<hbm>> -> memref<1x128xi32, #tpu.memory_space<hbm>>
        %dma_wait3A_121 = tpu.memref_squeeze %dma_wait3A_120 : memref<1x128xi32, #tpu.memory_space<hbm>> -> memref<128xi32, #tpu.memory_space<hbm>>
        tpu.wait_dma2 semaphore(%arg22 : memref<!tpu.dma_semaphore, #tpu.memory_space<semaphore_mem>>) src(%dma_wait3A_121 : memref<128xi32, #tpu.memory_space<hbm>>) dst(%arg9 : memref<128xi32, #tpu.memory_space<vmem>>)
        %mul3A_122 = arith.constant 128 : i32
        %mul3A_123 = arith.muli %add3A_115, %mul3A_122 : i32
        %dma_wait3A_124 = tpu.memref_slice %arg4[%add3A, %mul3A_123] : memref<32x10000xi32, #tpu.memory_space<hbm>> -> memref<1x128xi32, #tpu.memory_space<hbm>>
        %dma_wait3A_125 = tpu.memref_squeeze %dma_wait3A_124 : memref<1x128xi32, #tpu.memory_space<hbm>> -> memref<128xi32, #tpu.memory_space<hbm>>
        %dma_wait3A_126 = tpu.memref_slice %arg4[%add3A, %mul3A_123] : memref<32x10000xi32, #tpu.memory_space<hbm>> -> memref<1x128xi32, #tpu.memory_space<hbm>>
        %dma_wait3A_127 = tpu.memref_squeeze %dma_wait3A_126 : memref<1x128xi32, #tpu.memory_space<hbm>> -> memref<128xi32, #tpu.memory_space<hbm>>
        tpu.wait_dma2 semaphore(%arg22 : memref<!tpu.dma_semaphore, #tpu.memory_space<semaphore_mem>>) src(%dma_wait3A_127 : memref<128xi32, #tpu.memory_space<hbm>>) dst(%arg11 : memref<128xi32, #tpu.memory_space<vmem>>)
        %dma_start3A_128 = arith.constant 0 : i32
        %dma_start3A_129 = arith.constant 0 : i32
        %dma_start3A_130 = tpu.memref_slice %arg2[%dma_start3A_128, %dma_start3A_129] : memref<10000x128xf32, #tpu.memory_space<hbm>> -> memref<10000x128xf32, #tpu.memory_space<hbm>>
        tpu.enqueue_indirect_dma source(%dma_start3A_130 : memref<10000x128xf32, #tpu.memory_space<hbm>>) target(%arg15 : memref<128x128xf32, #tpu.memory_space<vmem>>) offsets(%arg9 : memref<128xi32, #tpu.memory_space<vmem>>) semaphore(%arg20 : memref<!tpu.dma_semaphore, #tpu.memory_space<semaphore_mem>>)
      } else {
      }
      "tpu.region"() ({
        %run_scoped3A = tpu.sem_alloc : memref<!tpu.dma_semaphore, #tpu.memory_space<semaphore_mem>>
        %dma_start3A_114 = arith.constant 0 : i32
        %dma_start3A_115 = arith.constant 0 : i32
        %dma_start3A_116 = tpu.memref_slice %arg19[%dma_start3A_114, %dma_start3A_115] : memref<10000x128xf32, #tpu.memory_space<vmem_shared>> -> memref<10000x128xf32, #tpu.memory_space<vmem_shared>>
        tpu.enqueue_indirect_dma source(%arg16 : memref<128x128xf32, #tpu.memory_space<vmem>>) target(%dma_start3A_116 : memref<10000x128xf32, #tpu.memory_space<vmem_shared>>) offsets(%arg12 : memref<128xi32, #tpu.memory_space<vmem>>) semaphore(%run_scoped3A : memref<!tpu.dma_semaphore, #tpu.memory_space<semaphore_mem>>) {add = true}
        %dma_wait3A_117 = arith.constant 0 : i32
        %dma_wait3A_118 = arith.constant 0 : i32
        %dma_wait3A_119 = tpu.memref_slice %arg19[%dma_wait3A_117, %dma_wait3A_118] : memref<10000x128xf32, #tpu.memory_space<vmem_shared>> -> memref<10000x128xf32, #tpu.memory_space<vmem_shared>>
        tpu.wait_indirect_dma semaphore(%run_scoped3A : memref<!tpu.dma_semaphore, #tpu.memory_space<semaphore_mem>>) src(%arg16 : memref<128x128xf32, #tpu.memory_space<vmem>>) dst(%dma_wait3A_119 : memref<10000x128xf32, #tpu.memory_space<vmem_shared>>)
        tpu.yield
      }) : () -> ()
      %add3A_107 = arith.constant 3 : i32
      %add3A_108 = arith.addi %mul3A_37, %add3A_107 : i32
      %lt3A_109 = arith.constant 78 : i32
      %lt3A_110 = arith.cmpi slt, %add3A_108, %lt3A_109 : i32
      %convert_element_type3A_111 = arith.extui %lt3A_110 : i1 to i32
      %cond3A_112 = arith.constant 0 : i32
      %cond3A_113 = arith.cmpi ne, %convert_element_type3A_111, %cond3A_112 : i32
      scf.if %cond3A_113 {
        %add3A_114 = arith.constant 3 : i32
        %add3A_115 = arith.addi %mul3A_37, %add3A_114 : i32
        %mul3A_116 = arith.constant 128 : i32
        %mul3A_117 = arith.muli %add3A_115, %mul3A_116 : i32
        %dma_start3A_118 = tpu.memref_slice %arg3[%add3A, %mul3A_117] : memref<32x10000xi32, #tpu.memory_space<hbm>> -> memref<1x128xi32, #tpu.memory_space<hbm>>
        %dma_start3A_119 = tpu.memref_squeeze %dma_start3A_118 : memref<1x128xi32, #tpu.memory_space<hbm>> -> memref<128xi32, #tpu.memory_space<hbm>>
        %dma_start3A_120 = tpu.memref_slice %arg3[%add3A, %mul3A_117] : memref<32x10000xi32, #tpu.memory_space<hbm>> -> memref<1x128xi32, #tpu.memory_space<hbm>>
        %dma_start3A_121 = tpu.memref_squeeze %dma_start3A_120 : memref<1x128xi32, #tpu.memory_space<hbm>> -> memref<128xi32, #tpu.memory_space<hbm>>
        tpu.enqueue_dma source(%dma_start3A_121 : memref<128xi32, #tpu.memory_space<hbm>>) target(%arg10 : memref<128xi32, #tpu.memory_space<vmem>>) target_semaphore(%arg23 : memref<!tpu.dma_semaphore, #tpu.memory_space<semaphore_mem>>)
        %mul3A_122 = arith.constant 128 : i32
        %mul3A_123 = arith.muli %add3A_115, %mul3A_122 : i32
        %dma_start3A_124 = tpu.memref_slice %arg4[%add3A, %mul3A_123] : memref<32x10000xi32, #tpu.memory_space<hbm>> -> memref<1x128xi32, #tpu.memory_space<hbm>>
        %dma_start3A_125 = tpu.memref_squeeze %dma_start3A_124 : memref<1x128xi32, #tpu.memory_space<hbm>> -> memref<128xi32, #tpu.memory_space<hbm>>
        %dma_start3A_126 = tpu.memref_slice %arg4[%add3A, %mul3A_123] : memref<32x10000xi32, #tpu.memory_space<hbm>> -> memref<1x128xi32, #tpu.memory_space<hbm>>
        %dma_start3A_127 = tpu.memref_squeeze %dma_start3A_126 : memref<1x128xi32, #tpu.memory_space<hbm>> -> memref<128xi32, #tpu.memory_space<hbm>>
        tpu.enqueue_dma source(%dma_start3A_127 : memref<128xi32, #tpu.memory_space<hbm>>) target(%arg12 : memref<128xi32, #tpu.memory_space<vmem>>) target_semaphore(%arg23 : memref<!tpu.dma_semaphore, #tpu.memory_space<semaphore_mem>>)
      } else {
      }
    }
    %scan3A_22 = arith.constant 39 : i32
    "tpu.region"() ({
      %run_scoped3A = tpu.sem_alloc : memref<!tpu.dma_semaphore, #tpu.memory_space<semaphore_mem>>
      %dma_start3A_35 = arith.constant 9984 : i32
      %dma_start3A_36 = tpu.memref_slice %arg3[%add3A, %dma_start3A_35] : memref<32x10000xi32, #tpu.memory_space<hbm>> -> memref<1x16xi32, #tpu.memory_space<hbm>>
      %dma_start3A_37 = tpu.memref_squeeze %dma_start3A_36 : memref<1x16xi32, #tpu.memory_space<hbm>> -> memref<16xi32, #tpu.memory_space<hbm>>
      %dma_start3A_38 = arith.constant 9984 : i32
      %dma_start3A_39 = tpu.memref_slice %arg3[%add3A, %dma_start3A_38] : memref<32x10000xi32, #tpu.memory_space<hbm>> -> memref<1x16xi32, #tpu.memory_space<hbm>>
      %dma_start3A_40 = tpu.memref_squeeze %dma_start3A_39 : memref<1x16xi32, #tpu.memory_space<hbm>> -> memref<16xi32, #tpu.memory_space<hbm>>
      tpu.enqueue_dma source(%dma_start3A_40 : memref<16xi32, #tpu.memory_space<hbm>>) target(%arg13 : memref<16xi32, #tpu.memory_space<vmem>>) target_semaphore(%run_scoped3A : memref<!tpu.dma_semaphore, #tpu.memory_space<semaphore_mem>>)
      %dma_wait3A_41 = arith.constant 9984 : i32
      %dma_wait3A_42 = tpu.memref_slice %arg3[%add3A, %dma_wait3A_41] : memref<32x10000xi32, #tpu.memory_space<hbm>> -> memref<1x16xi32, #tpu.memory_space<hbm>>
      %dma_wait3A_43 = tpu.memref_squeeze %dma_wait3A_42 : memref<1x16xi32, #tpu.memory_space<hbm>> -> memref<16xi32, #tpu.memory_space<hbm>>
      %dma_wait3A_44 = arith.constant 9984 : i32
      %dma_wait3A_45 = tpu.memref_slice %arg3[%add3A, %dma_wait3A_44] : memref<32x10000xi32, #tpu.memory_space<hbm>> -> memref<1x16xi32, #tpu.memory_space<hbm>>
      %dma_wait3A_46 = tpu.memref_squeeze %dma_wait3A_45 : memref<1x16xi32, #tpu.memory_space<hbm>> -> memref<16xi32, #tpu.memory_space<hbm>>
      tpu.wait_dma2 semaphore(%run_scoped3A : memref<!tpu.dma_semaphore, #tpu.memory_space<semaphore_mem>>) src(%dma_wait3A_46 : memref<16xi32, #tpu.memory_space<hbm>>) dst(%arg13 : memref<16xi32, #tpu.memory_space<vmem>>)
      tpu.yield
    }) : () -> ()
    "tpu.region"() ({
      %run_scoped3A = tpu.sem_alloc : memref<!tpu.dma_semaphore, #tpu.memory_space<semaphore_mem>>
      %dma_start3A_35 = arith.constant 9984 : i32
      %dma_start3A_36 = tpu.memref_slice %arg4[%add3A, %dma_start3A_35] : memref<32x10000xi32, #tpu.memory_space<hbm>> -> memref<1x16xi32, #tpu.memory_space<hbm>>
      %dma_start3A_37 = tpu.memref_squeeze %dma_start3A_36 : memref<1x16xi32, #tpu.memory_space<hbm>> -> memref<16xi32, #tpu.memory_space<hbm>>
      %dma_start3A_38 = arith.constant 9984 : i32
      %dma_start3A_39 = tpu.memref_slice %arg4[%add3A, %dma_start3A_38] : memref<32x10000xi32, #tpu.memory_space<hbm>> -> memref<1x16xi32, #tpu.memory_space<hbm>>
      %dma_start3A_40 = tpu.memref_squeeze %dma_start3A_39 : memref<1x16xi32, #tpu.memory_space<hbm>> -> memref<16xi32, #tpu.memory_space<hbm>>
      tpu.enqueue_dma source(%dma_start3A_40 : memref<16xi32, #tpu.memory_space<hbm>>) target(%arg14 : memref<16xi32, #tpu.memory_space<vmem>>) target_semaphore(%run_scoped3A : memref<!tpu.dma_semaphore, #tpu.memory_space<semaphore_mem>>)
      %dma_wait3A_41 = arith.constant 9984 : i32
      %dma_wait3A_42 = tpu.memref_slice %arg4[%add3A, %dma_wait3A_41] : memref<32x10000xi32, #tpu.memory_space<hbm>> -> memref<1x16xi32, #tpu.memory_space<hbm>>
      %dma_wait3A_43 = tpu.memref_squeeze %dma_wait3A_42 : memref<1x16xi32, #tpu.memory_space<hbm>> -> memref<16xi32, #tpu.memory_space<hbm>>
      %dma_wait3A_44 = arith.constant 9984 : i32
      %dma_wait3A_45 = tpu.memref_slice %arg4[%add3A, %dma_wait3A_44] : memref<32x10000xi32, #tpu.memory_space<hbm>> -> memref<1x16xi32, #tpu.memory_space<hbm>>
      %dma_wait3A_46 = tpu.memref_squeeze %dma_wait3A_45 : memref<1x16xi32, #tpu.memory_space<hbm>> -> memref<16xi32, #tpu.memory_space<hbm>>
      tpu.wait_dma2 semaphore(%run_scoped3A : memref<!tpu.dma_semaphore, #tpu.memory_space<semaphore_mem>>) src(%dma_wait3A_46 : memref<16xi32, #tpu.memory_space<hbm>>) dst(%arg14 : memref<16xi32, #tpu.memory_space<vmem>>)
      tpu.yield
    }) : () -> ()
    %dma_start3A_23 = arith.constant 0 : i32
    %dma_start3A_24 = arith.constant 0 : i32
    %dma_start3A_25 = tpu.memref_slice %arg2[%dma_start3A_23, %dma_start3A_24] : memref<10000x128xf32, #tpu.memory_space<hbm>> -> memref<10000x128xf32, #tpu.memory_space<hbm>>
    tpu.enqueue_indirect_dma source(%dma_start3A_25 : memref<10000x128xf32, #tpu.memory_space<hbm>>) target(%arg17 : memref<16x128xf32, #tpu.memory_space<vmem>>) offsets(%arg13 : memref<16xi32, #tpu.memory_space<vmem>>) semaphore(%arg20 : memref<!tpu.dma_semaphore, #tpu.memory_space<semaphore_mem>>)
    %dma_wait3A = arith.constant 0 : i32
    %dma_wait3A_26 = arith.constant 0 : i32
    %dma_wait3A_27 = tpu.memref_slice %arg2[%dma_wait3A, %dma_wait3A_26] : memref<10000x128xf32, #tpu.memory_space<hbm>> -> memref<10000x128xf32, #tpu.memory_space<hbm>>
    tpu.wait_indirect_dma semaphore(%arg20 : memref<!tpu.dma_semaphore, #tpu.memory_space<semaphore_mem>>) src(%dma_wait3A_27 : memref<10000x128xf32, #tpu.memory_space<hbm>>) dst(%arg17 : memref<16x128xf32, #tpu.memory_space<vmem>>)
    %get3A = arith.constant 0 : index
    %get3A_28 = tpu.vector_load %arg14[%get3A] {strides = array<i32>} : memref<16xi32, #tpu.memory_space<vmem>>, vector<16xi32>,
    tpu.vector_store_idx %arg18[%get3A_28], %broadcast_in_dim3A_3 {add = true} : memref<10000xf32, #tpu.memory_space<vmem>>[vector<16xi32>], vector<16xf32>,
    "tpu.region"() ({
      %run_scoped3A = tpu.sem_alloc : memref<!tpu.dma_semaphore, #tpu.memory_space<semaphore_mem>>
      %dma_start3A_35 = arith.constant 0 : i32
      %dma_start3A_36 = arith.constant 0 : i32
      %dma_start3A_37 = tpu.memref_slice %arg19[%dma_start3A_35, %dma_start3A_36] : memref<10000x128xf32, #tpu.memory_space<vmem_shared>> -> memref<10000x128xf32, #tpu.memory_space<vmem_shared>>
      tpu.enqueue_indirect_dma source(%arg17 : memref<16x128xf32, #tpu.memory_space<vmem>>) target(%dma_start3A_37 : memref<10000x128xf32, #tpu.memory_space<vmem_shared>>) offsets(%arg14 : memref<16xi32, #tpu.memory_space<vmem>>) semaphore(%run_scoped3A : memref<!tpu.dma_semaphore, #tpu.memory_space<semaphore_mem>>) {add = true}
      %dma_wait3A_38 = arith.constant 0 : i32
      %dma_wait3A_39 = arith.constant 0 : i32
      %dma_wait3A_40 = tpu.memref_slice %arg19[%dma_wait3A_38, %dma_wait3A_39] : memref<10000x128xf32, #tpu.memory_space<vmem_shared>> -> memref<10000x128xf32, #tpu.memory_space<vmem_shared>>
      tpu.wait_indirect_dma semaphore(%run_scoped3A : memref<!tpu.dma_semaphore, #tpu.memory_space<semaphore_mem>>) src(%arg17 : memref<16x128xf32, #tpu.memory_space<vmem>>) dst(%dma_wait3A_40 : memref<10000x128xf32, #tpu.memory_space<vmem_shared>>)
      tpu.yield
    }) : () -> ()
    "tpu.region"() ({
      %run_scoped3A = tpu.sem_alloc : memref<!tpu.dma_semaphore, #tpu.memory_space<semaphore_mem>>
      %dma_start3A_35 = arith.constant 0 : i32
      %dma_start3A_36 = tpu.memref_slice %arg8[%add3A, %dma_start3A_35] : memref<32x10000xf32, #tpu.memory_space<hbm>> -> memref<1x10000xf32, #tpu.memory_space<hbm>>
      %dma_start3A_37 = tpu.memref_squeeze %dma_start3A_36 : memref<1x10000xf32, #tpu.memory_space<hbm>> -> memref<10000xf32, #tpu.memory_space<hbm>>
      %dma_start3A_38 = arith.constant 0 : i32
      %dma_start3A_39 = tpu.memref_slice %arg8[%add3A, %dma_start3A_38] : memref<32x10000xf32, #tpu.memory_space<hbm>> -> memref<1x10000xf32, #tpu.memory_space<hbm>>
      %dma_start3A_40 = tpu.memref_squeeze %dma_start3A_39 : memref<1x10000xf32, #tpu.memory_space<hbm>> -> memref<10000xf32, #tpu.memory_space<hbm>>
      tpu.enqueue_dma source(%arg18 : memref<10000xf32, #tpu.memory_space<vmem>>) target(%dma_start3A_40 : memref<10000xf32, #tpu.memory_space<hbm>>) target_semaphore(%run_scoped3A : memref<!tpu.dma_semaphore, #tpu.memory_space<semaphore_mem>>)
      %dma_wait3A_41 = arith.constant 0 : i32
      %dma_wait3A_42 = tpu.memref_slice %arg8[%add3A, %dma_wait3A_41] : memref<32x10000xf32, #tpu.memory_space<hbm>> -> memref<1x10000xf32, #tpu.memory_space<hbm>>
      %dma_wait3A_43 = tpu.memref_squeeze %dma_wait3A_42 : memref<1x10000xf32, #tpu.memory_space<hbm>> -> memref<10000xf32, #tpu.memory_space<hbm>>
      %dma_wait3A_44 = arith.constant 0 : i32
      %dma_wait3A_45 = tpu.memref_slice %arg8[%add3A, %dma_wait3A_44] : memref<32x10000xf32, #tpu.memory_space<hbm>> -> memref<1x10000xf32, #tpu.memory_space<hbm>>
      %dma_wait3A_46 = tpu.memref_squeeze %dma_wait3A_45 : memref<1x10000xf32, #tpu.memory_space<hbm>> -> memref<10000xf32, #tpu.memory_space<hbm>>
      tpu.wait_dma2 semaphore(%run_scoped3A : memref<!tpu.dma_semaphore, #tpu.memory_space<semaphore_mem>>) src(%arg18 : memref<10000xf32, #tpu.memory_space<vmem>>) dst(%dma_wait3A_46 : memref<10000xf32, #tpu.memory_space<hbm>>)
      tpu.yield
    }) : () -> ()
    %barrier3A_29 = arith.constant 0 : index
    tpu.barrier barrier_id(%barrier3A_29)
    %lt3A_30 = arith.constant 5 : i32
    %lt3A_31 = arith.cmpi slt, %arg1, %lt3A_30 : i32
    %convert_element_type3A_32 = arith.extui %lt3A_31 : i1 to i32
    %cond3A_33 = arith.constant 0 : i32
    %cond3A_34 = arith.cmpi ne, %convert_element_type3A_32, %cond3A_33 : i32
    scf.if %cond3A_34 {
      %mul3A_35 = arith.constant 2000 : i32
      %mul3A_36 = arith.muli %arg1, %mul3A_35 : i32
      "tpu.region"() ({
        %run_scoped3A = tpu.sem_alloc : memref<!tpu.dma_semaphore, #tpu.memory_space<semaphore_mem>>
        %dma_start3A_37 = arith.constant 0 : i32
        %dma_start3A_38 = tpu.memref_slice %arg7[%arg0, %mul3A_36, %dma_start3A_37] : memref<2x10000x128xf32, #tpu.memory_space<hbm>> -> memref<1x2000x128xf32, #tpu.memory_space<hbm>>
        %dma_start3A_39 = tpu.memref_squeeze %dma_start3A_38 : memref<1x2000x128xf32, #tpu.memory_space<hbm>> -> memref<2000x128xf32, #tpu.memory_space<hbm>>
        %dma_start3A_40 = arith.constant 0 : i32
        %dma_start3A_41 = tpu.memref_slice %arg19[%mul3A_36, %dma_start3A_40] : memref<10000x128xf32, #tpu.memory_space<vmem_shared>> -> memref<2000x128xf32, #tpu.memory_space<vmem_shared>>
        tpu.enqueue_dma source(%dma_start3A_41 : memref<2000x128xf32, #tpu.memory_space<vmem_shared>>) target(%dma_start3A_39 : memref<2000x128xf32, #tpu.memory_space<hbm>>) target_semaphore(%run_scoped3A : memref<!tpu.dma_semaphore, #tpu.memory_space<semaphore_mem>>)
        %dma_wait3A_42 = arith.constant 0 : i32
        %dma_wait3A_43 = tpu.memref_slice %arg7[%arg0, %mul3A_36, %dma_wait3A_42] : memref<2x10000x128xf32, #tpu.memory_space<hbm>> -> memref<1x2000x128xf32, #tpu.memory_space<hbm>>
        %dma_wait3A_44 = tpu.memref_squeeze %dma_wait3A_43 : memref<1x2000x128xf32, #tpu.memory_space<hbm>> -> memref<2000x128xf32, #tpu.memory_space<hbm>>
        %dma_wait3A_45 = arith.constant 0 : i32
        %dma_wait3A_46 = tpu.memref_slice %arg19[%mul3A_36, %dma_wait3A_45] : memref<10000x128xf32, #tpu.memory_space<vmem_shared>> -> memref<2000x128xf32, #tpu.memory_space<vmem_shared>>
        tpu.wait_dma2 semaphore(%run_scoped3A : memref<!tpu.dma_semaphore, #tpu.memory_space<semaphore_mem>>) src(%dma_wait3A_46 : memref<2000x128xf32, #tpu.memory_space<vmem_shared>>) dst(%dma_wait3A_44 : memref<2000x128xf32, #tpu.memory_space<hbm>>)
        tpu.yield
      }) : () -> ()
    } else {
    }
    return
  }
}

#map = affine_map<(d0, d1) -> (0)>
#map1 = affine_map<(d0, d1) -> (0, 0)>
module attributes {stable_mosaic.version = 14 : i64} {
  func.func @sage_agg2(%arg0: i32, %arg1: i32, %arg2: memref<10000xf32, #tpu.memory_space<hbm>>, %arg3: memref<10000xf32, #tpu.memory_space<hbm>>, %arg4: memref<32x10000xi32, #tpu.memory_space<hbm>>, %arg5: memref<32x10000xi32, #tpu.memory_space<hbm>>, %arg6: memref<20000xf32, #tpu.memory_space<hbm>>, %arg7: memref<32x20000xf32, #tpu.memory_space<hbm>>, %arg8: memref<10000xi32, #tpu.memory_space<vmem>>, %arg9: memref<10000xi32, #tpu.memory_space<vmem>>, %arg10: memref<20000xf32, #tpu.memory_space<vmem>>, %arg11: memref<20000xf32, #tpu.memory_space<vmem>>, %arg12: memref<!tpu.dma_semaphore, #tpu.memory_space<semaphore_mem>>) attributes {dimension_semantics = [#tpu.dimension_semantics<core_parallel>, #tpu.dimension_semantics<subcore_parallel>], iteration_bounds = array<i64: 2, 16>, scalar_prefetch = 0 : i64, scratch_operands = 5 : i64, tpu.core_type = #tpu.core_type<sc_vector_subcore>, window_params = [{transform_indices = #map}, {transform_indices = #map}, {transform_indices = #map1}, {transform_indices = #map1}, {transform_indices = #map}, {transform_indices = #map1}]} {
    %mul3A = arith.constant 16 : i32
    %mul3A_0 = arith.muli %arg0, %mul3A : i32
    %add3A = arith.addi %mul3A_0, %arg1 : i32
    %dma_start3A = arith.constant 0 : i32
    %dma_start3A_1 = tpu.memref_slice %arg10[%dma_start3A] : memref<20000xf32, #tpu.memory_space<vmem>> -> memref<10000xf32, #tpu.memory_space<vmem>>
    %dma_start3A_2 = arith.constant 0 : i32
    %dma_start3A_3 = tpu.memref_slice %arg10[%dma_start3A_2] : memref<20000xf32, #tpu.memory_space<vmem>> -> memref<10000xf32, #tpu.memory_space<vmem>>
    tpu.enqueue_dma source(%arg2 : memref<10000xf32, #tpu.memory_space<hbm>>) target(%dma_start3A_3 : memref<10000xf32, #tpu.memory_space<vmem>>) target_semaphore(%arg12 : memref<!tpu.dma_semaphore, #tpu.memory_space<semaphore_mem>>)
    %dma_start3A_4 = arith.constant 10000 : i32
    %dma_start3A_5 = tpu.memref_slice %arg10[%dma_start3A_4] : memref<20000xf32, #tpu.memory_space<vmem>> -> memref<10000xf32, #tpu.memory_space<vmem>>
    %dma_start3A_6 = arith.constant 10000 : i32
    %dma_start3A_7 = tpu.memref_slice %arg10[%dma_start3A_6] : memref<20000xf32, #tpu.memory_space<vmem>> -> memref<10000xf32, #tpu.memory_space<vmem>>
    tpu.enqueue_dma source(%arg3 : memref<10000xf32, #tpu.memory_space<hbm>>) target(%dma_start3A_7 : memref<10000xf32, #tpu.memory_space<vmem>>) target_semaphore(%arg12 : memref<!tpu.dma_semaphore, #tpu.memory_space<semaphore_mem>>)
    tpu.enqueue_dma source(%arg6 : memref<20000xf32, #tpu.memory_space<hbm>>) target(%arg11 : memref<20000xf32, #tpu.memory_space<vmem>>) target_semaphore(%arg12 : memref<!tpu.dma_semaphore, #tpu.memory_space<semaphore_mem>>)
    %dma_start3A_8 = arith.constant 0 : i32
    %dma_start3A_9 = tpu.memref_slice %arg4[%add3A, %dma_start3A_8] : memref<32x10000xi32, #tpu.memory_space<hbm>> -> memref<1x10000xi32, #tpu.memory_space<hbm>>
    %dma_start3A_10 = tpu.memref_squeeze %dma_start3A_9 : memref<1x10000xi32, #tpu.memory_space<hbm>> -> memref<10000xi32, #tpu.memory_space<hbm>>
    %dma_start3A_11 = arith.constant 0 : i32
    %dma_start3A_12 = tpu.memref_slice %arg4[%add3A, %dma_start3A_11] : memref<32x10000xi32, #tpu.memory_space<hbm>> -> memref<1x10000xi32, #tpu.memory_space<hbm>>
    %dma_start3A_13 = tpu.memref_squeeze %dma_start3A_12 : memref<1x10000xi32, #tpu.memory_space<hbm>> -> memref<10000xi32, #tpu.memory_space<hbm>>
    tpu.enqueue_dma source(%dma_start3A_13 : memref<10000xi32, #tpu.memory_space<hbm>>) target(%arg8 : memref<10000xi32, #tpu.memory_space<vmem>>) target_semaphore(%arg12 : memref<!tpu.dma_semaphore, #tpu.memory_space<semaphore_mem>>)
    %dma_start3A_14 = arith.constant 0 : i32
    %dma_start3A_15 = tpu.memref_slice %arg5[%add3A, %dma_start3A_14] : memref<32x10000xi32, #tpu.memory_space<hbm>> -> memref<1x10000xi32, #tpu.memory_space<hbm>>
    %dma_start3A_16 = tpu.memref_squeeze %dma_start3A_15 : memref<1x10000xi32, #tpu.memory_space<hbm>> -> memref<10000xi32, #tpu.memory_space<hbm>>
    %dma_start3A_17 = arith.constant 0 : i32
    %dma_start3A_18 = tpu.memref_slice %arg5[%add3A, %dma_start3A_17] : memref<32x10000xi32, #tpu.memory_space<hbm>> -> memref<1x10000xi32, #tpu.memory_space<hbm>>
    %dma_start3A_19 = tpu.memref_squeeze %dma_start3A_18 : memref<1x10000xi32, #tpu.memory_space<hbm>> -> memref<10000xi32, #tpu.memory_space<hbm>>
    tpu.enqueue_dma source(%dma_start3A_19 : memref<10000xi32, #tpu.memory_space<hbm>>) target(%arg9 : memref<10000xi32, #tpu.memory_space<vmem>>) target_semaphore(%arg12 : memref<!tpu.dma_semaphore, #tpu.memory_space<semaphore_mem>>)
    %dma_wait3A = arith.constant 0 : i32
    %dma_wait3A_20 = tpu.memref_slice %arg10[%dma_wait3A] : memref<20000xf32, #tpu.memory_space<vmem>> -> memref<10000xf32, #tpu.memory_space<vmem>>
    %dma_wait3A_21 = arith.constant 0 : i32
    %dma_wait3A_22 = tpu.memref_slice %arg10[%dma_wait3A_21] : memref<20000xf32, #tpu.memory_space<vmem>> -> memref<10000xf32, #tpu.memory_space<vmem>>
    tpu.wait_dma2 semaphore(%arg12 : memref<!tpu.dma_semaphore, #tpu.memory_space<semaphore_mem>>) src(%arg2 : memref<10000xf32, #tpu.memory_space<hbm>>) dst(%dma_wait3A_22 : memref<10000xf32, #tpu.memory_space<vmem>>)
    %dma_wait3A_23 = arith.constant 10000 : i32
    %dma_wait3A_24 = tpu.memref_slice %arg10[%dma_wait3A_23] : memref<20000xf32, #tpu.memory_space<vmem>> -> memref<10000xf32, #tpu.memory_space<vmem>>
    %dma_wait3A_25 = arith.constant 10000 : i32
    %dma_wait3A_26 = tpu.memref_slice %arg10[%dma_wait3A_25] : memref<20000xf32, #tpu.memory_space<vmem>> -> memref<10000xf32, #tpu.memory_space<vmem>>
    tpu.wait_dma2 semaphore(%arg12 : memref<!tpu.dma_semaphore, #tpu.memory_space<semaphore_mem>>) src(%arg3 : memref<10000xf32, #tpu.memory_space<hbm>>) dst(%dma_wait3A_26 : memref<10000xf32, #tpu.memory_space<vmem>>)
    tpu.wait_dma2 semaphore(%arg12 : memref<!tpu.dma_semaphore, #tpu.memory_space<semaphore_mem>>) src(%arg6 : memref<20000xf32, #tpu.memory_space<hbm>>) dst(%arg11 : memref<20000xf32, #tpu.memory_space<vmem>>)
    %dma_wait3A_27 = arith.constant 0 : i32
    %dma_wait3A_28 = tpu.memref_slice %arg4[%add3A, %dma_wait3A_27] : memref<32x10000xi32, #tpu.memory_space<hbm>> -> memref<1x10000xi32, #tpu.memory_space<hbm>>
    %dma_wait3A_29 = tpu.memref_squeeze %dma_wait3A_28 : memref<1x10000xi32, #tpu.memory_space<hbm>> -> memref<10000xi32, #tpu.memory_space<hbm>>
    %dma_wait3A_30 = arith.constant 0 : i32
    %dma_wait3A_31 = tpu.memref_slice %arg4[%add3A, %dma_wait3A_30] : memref<32x10000xi32, #tpu.memory_space<hbm>> -> memref<1x10000xi32, #tpu.memory_space<hbm>>
    %dma_wait3A_32 = tpu.memref_squeeze %dma_wait3A_31 : memref<1x10000xi32, #tpu.memory_space<hbm>> -> memref<10000xi32, #tpu.memory_space<hbm>>
    tpu.wait_dma2 semaphore(%arg12 : memref<!tpu.dma_semaphore, #tpu.memory_space<semaphore_mem>>) src(%dma_wait3A_32 : memref<10000xi32, #tpu.memory_space<hbm>>) dst(%arg8 : memref<10000xi32, #tpu.memory_space<vmem>>)
    %dma_wait3A_33 = arith.constant 0 : i32
    %dma_wait3A_34 = tpu.memref_slice %arg5[%add3A, %dma_wait3A_33] : memref<32x10000xi32, #tpu.memory_space<hbm>> -> memref<1x10000xi32, #tpu.memory_space<hbm>>
    %dma_wait3A_35 = tpu.memref_squeeze %dma_wait3A_34 : memref<1x10000xi32, #tpu.memory_space<hbm>> -> memref<10000xi32, #tpu.memory_space<hbm>>
    %dma_wait3A_36 = arith.constant 0 : i32
    %dma_wait3A_37 = tpu.memref_slice %arg5[%add3A, %dma_wait3A_36] : memref<32x10000xi32, #tpu.memory_space<hbm>> -> memref<1x10000xi32, #tpu.memory_space<hbm>>
    %dma_wait3A_38 = tpu.memref_squeeze %dma_wait3A_37 : memref<1x10000xi32, #tpu.memory_space<hbm>> -> memref<10000xi32, #tpu.memory_space<hbm>>
    tpu.wait_dma2 semaphore(%arg12 : memref<!tpu.dma_semaphore, #tpu.memory_space<semaphore_mem>>) src(%dma_wait3A_38 : memref<10000xi32, #tpu.memory_space<hbm>>) dst(%arg9 : memref<10000xi32, #tpu.memory_space<vmem>>)
    %broadcast_in_dim3A = arith.constant 10000 : i32
    %broadcast_in_dim3A_39 = vector.broadcast %broadcast_in_dim3A : i32 to vector<16xi32>
    %scan3A = arith.constant 0 : i32
    %scan3A_40 = arith.constant 0 : i32
    %scan3A_41 = arith.constant 625 : i32
    %scan3A_42 = arith.addi %scan3A_40, %scan3A_41 : i32
    %scan3A_43 = arith.constant 1 : i32
    scf.for %scan3A_45 = %scan3A_40 to %scan3A_42 step %scan3A_43  : i32 {
      %mul3A_46 = arith.constant 16 : i32
      %mul3A_47 = arith.muli %scan3A_45, %mul3A_46 : i32
      %get3A = arith.index_cast %mul3A_47 : i32 to index
      %get3A_48 = tpu.vector_load %arg8[%get3A] {strides = array<i32>} : memref<10000xi32, #tpu.memory_space<vmem>>, vector<16xi32>,
      %mul3A_49 = arith.constant 16 : i32
      %mul3A_50 = arith.muli %scan3A_45, %mul3A_49 : i32
      %get3A_51 = arith.index_cast %mul3A_50 : i32 to index
      %get3A_52 = tpu.vector_load %arg9[%get3A_51] {strides = array<i32>} : memref<10000xi32, #tpu.memory_space<vmem>>, vector<16xi32>,
      %gather3A = tpu.vector_load_idx %arg10[%get3A_48] : memref<20000xf32, #tpu.memory_space<vmem>>[vector<16xi32>], vector<16xf32>,
      tpu.vector_store_idx %arg11[%get3A_52], %gather3A {add = true} : memref<20000xf32, #tpu.memory_space<vmem>>[vector<16xi32>], vector<16xf32>,
      %add3A_53 = arith.addi %get3A_48, %broadcast_in_dim3A_39 : vector<16xi32>
      %gather3A_54 = tpu.vector_load_idx %arg10[%add3A_53] : memref<20000xf32, #tpu.memory_space<vmem>>[vector<16xi32>], vector<16xf32>,
      %add3A_55 = arith.addi %get3A_52, %broadcast_in_dim3A_39 : vector<16xi32>
      tpu.vector_store_idx %arg11[%add3A_55], %gather3A_54 {add = true} : memref<20000xf32, #tpu.memory_space<vmem>>[vector<16xi32>], vector<16xf32>,
    }
    %scan3A_44 = arith.constant 625 : i32
    "tpu.region"() ({
      %run_scoped3A = tpu.sem_alloc : memref<!tpu.dma_semaphore, #tpu.memory_space<semaphore_mem>>
      %dma_start3A_45 = arith.constant 0 : i32
      %dma_start3A_46 = tpu.memref_slice %arg7[%add3A, %dma_start3A_45] : memref<32x20000xf32, #tpu.memory_space<hbm>> -> memref<1x20000xf32, #tpu.memory_space<hbm>>
      %dma_start3A_47 = tpu.memref_squeeze %dma_start3A_46 : memref<1x20000xf32, #tpu.memory_space<hbm>> -> memref<20000xf32, #tpu.memory_space<hbm>>
      %dma_start3A_48 = arith.constant 0 : i32
      %dma_start3A_49 = tpu.memref_slice %arg7[%add3A, %dma_start3A_48] : memref<32x20000xf32, #tpu.memory_space<hbm>> -> memref<1x20000xf32, #tpu.memory_space<hbm>>
      %dma_start3A_50 = tpu.memref_squeeze %dma_start3A_49 : memref<1x20000xf32, #tpu.memory_space<hbm>> -> memref<20000xf32, #tpu.memory_space<hbm>>
      tpu.enqueue_dma source(%arg11 : memref<20000xf32, #tpu.memory_space<vmem>>) target(%dma_start3A_50 : memref<20000xf32, #tpu.memory_space<hbm>>) target_semaphore(%run_scoped3A : memref<!tpu.dma_semaphore, #tpu.memory_space<semaphore_mem>>)
      %dma_wait3A_51 = arith.constant 0 : i32
      %dma_wait3A_52 = tpu.memref_slice %arg7[%add3A, %dma_wait3A_51] : memref<32x20000xf32, #tpu.memory_space<hbm>> -> memref<1x20000xf32, #tpu.memory_space<hbm>>
      %dma_wait3A_53 = tpu.memref_squeeze %dma_wait3A_52 : memref<1x20000xf32, #tpu.memory_space<hbm>> -> memref<20000xf32, #tpu.memory_space<hbm>>
      %dma_wait3A_54 = arith.constant 0 : i32
      %dma_wait3A_55 = tpu.memref_slice %arg7[%add3A, %dma_wait3A_54] : memref<32x20000xf32, #tpu.memory_space<hbm>> -> memref<1x20000xf32, #tpu.memory_space<hbm>>
      %dma_wait3A_56 = tpu.memref_squeeze %dma_wait3A_55 : memref<1x20000xf32, #tpu.memory_space<hbm>> -> memref<20000xf32, #tpu.memory_space<hbm>>
      tpu.wait_dma2 semaphore(%run_scoped3A : memref<!tpu.dma_semaphore, #tpu.memory_space<semaphore_mem>>) src(%arg11 : memref<20000xf32, #tpu.memory_space<vmem>>) dst(%dma_wait3A_56 : memref<20000xf32, #tpu.memory_space<hbm>>)
      tpu.yield
    }) : () -> ()
    return
  }
}

module attributes {stable_mosaic.version = 14 : i64} {
  func.func @_layer1_body(%arg0: i32, %arg1: memref<1000x128xf32, #tpu.memory_space<vmem>>, %arg2: memref<1000x128xf32, #tpu.memory_space<vmem>>, %arg3: memref<1000x32xf32, #tpu.memory_space<vmem>>, %arg4: memref<1000x128xf32, #tpu.memory_space<vmem>>, %arg5: memref<128x128xf32, #tpu.memory_space<vmem>>, %arg6: memref<128x128xf32, #tpu.memory_space<vmem>>, %arg7: memref<1x128xf32, #tpu.memory_space<vmem>>, %arg8: memref<4x128xf32, #tpu.memory_space<vmem>>, %arg9: memref<1x2xf32, #tpu.memory_space<vmem>>, %arg10: memref<1000x1xf32, #tpu.memory_space<vmem>>, %arg11: memref<1000x1xf32, #tpu.memory_space<vmem>>, %arg12: memref<1000x2xf32, #tpu.memory_space<vmem>>) attributes {dimension_semantics = [#tpu.dimension_semantics<arbitrary>], iteration_bounds = array<i64: 10>, scalar_prefetch = 0 : i64, scratch_operands = 0 : i64, tpu.core_type = #tpu.core_type<tc>, window_params = [{transform_indices = @transform_0, window_bounds = array<i64: 1000, 128>}, {transform_indices = @transform_1, window_bounds = array<i64: 1000, 128>}, {transform_indices = @transform_2, window_bounds = array<i64: 1000, 32>}, {transform_indices = @transform_3, window_bounds = array<i64: 1000, 128>}, {pipeline_mode = #tpu.pipeline_mode<synchronous>, transform_indices = @transform_4, window_bounds = array<i64: 128, 128>}, {pipeline_mode = #tpu.pipeline_mode<synchronous>, transform_indices = @transform_5, window_bounds = array<i64: 128, 128>}, {pipeline_mode = #tpu.pipeline_mode<synchronous>, transform_indices = @transform_6, window_bounds = array<i64: 1, 128>}, {pipeline_mode = #tpu.pipeline_mode<synchronous>, transform_indices = @transform_7, window_bounds = array<i64: 4, 128>}, {pipeline_mode = #tpu.pipeline_mode<synchronous>, transform_indices = @transform_8, window_bounds = array<i64: 1, 2>}, {transform_indices = @transform_9, window_bounds = array<i64: 1000, 1>}, {transform_indices = @transform_10, window_bounds = array<i64: 1000, 1>}, {transform_indices = @transform_11, window_bounds = array<i64: 1000, 2>}]} {
    %get3A = arith.constant 0 : index
    %get3A_0 = arith.constant 0 : index
    %get3A_1 = vector.load %arg3[%get3A, %get3A_0] : memref<1000x32xf32, #tpu.memory_space<vmem>>, vector<1000x32xf32>
    %reduce_sum3A = arith.constant dense<0.000000e+00> : vector<1000xf32>
    %reduce_sum3A_2 = vector.multi_reduction <add>, %get3A_1, %reduce_sum3A [1] : vector<1000x32xf32> to vector<1000xf32>
    %broadcast_in_dim3A = vector.shape_cast %reduce_sum3A_2 : vector<1000xf32> to vector<1000x1xf32>
    %max3A = arith.constant 1.000000e+00 : f32
    %max3A_3 = vector.broadcast %max3A : f32 to vector<1000x1xf32>
    %max3A_4 = arith.maximumf %broadcast_in_dim3A, %max3A_3 : vector<1000x1xf32>
    %get3A_5 = arith.constant 0 : index
    %get3A_6 = arith.constant 0 : index
    %get3A_7 = vector.load %arg1[%get3A_5, %get3A_6] : memref<1000x128xf32, #tpu.memory_space<vmem>>, vector<1000x128xf32>
    %get3A_8 = arith.constant 0 : index
    %get3A_9 = arith.constant 0 : index
    %get3A_10 = vector.load %arg2[%get3A_8, %get3A_9] : memref<1000x128xf32, #tpu.memory_space<vmem>>, vector<1000x128xf32>
    %add3A = arith.addf %get3A_7, %get3A_10 : vector<1000x128xf32>
    %div3A = vector.broadcast %max3A_4 : vector<1000x1xf32> to vector<1000x128xf32>
    %div3A_11 = arith.divf %add3A, %div3A : vector<1000x128xf32>
    %get3A_12 = arith.constant 0 : index
    %get3A_13 = arith.constant 0 : index
    %get3A_14 = vector.load %arg5[%get3A_12, %get3A_13] : memref<128x128xf32, #tpu.memory_space<vmem>>, vector<128x128xf32>
    %dot_general3A = arith.constant dense<0.000000e+00> : vector<1000x128xf32>
    %dot_general3A_15 = tpu.matmul %div3A_11, %get3A_14, %dot_general3A {dimension_numbers = #tpu.dot_dimension_numbers<[1], [1], [0], [0], [0, 0, 1, 0], [], []>, transpose_lhs_hint = false} : vector<1000x128xf32>, vector<128x128xf32>, vector<1000x128xf32> -> vector<1000x128xf32>
    %get3A_16 = arith.constant 0 : index
    %get3A_17 = arith.constant 0 : index
    %get3A_18 = vector.load %arg4[%get3A_16, %get3A_17] : memref<1000x128xf32, #tpu.memory_space<vmem>>, vector<1000x128xf32>
    %get3A_19 = arith.constant 0 : index
    %get3A_20 = arith.constant 0 : index
    %get3A_21 = vector.load %arg6[%get3A_19, %get3A_20] : memref<128x128xf32, #tpu.memory_space<vmem>>, vector<128x128xf32>
    %dot_general3A_22 = arith.constant dense<0.000000e+00> : vector<1000x128xf32>
    %dot_general3A_23 = tpu.matmul %get3A_18, %get3A_21, %dot_general3A_22 {dimension_numbers = #tpu.dot_dimension_numbers<[1], [1], [0], [0], [0, 0, 1, 0], [], []>, transpose_lhs_hint = false} : vector<1000x128xf32>, vector<128x128xf32>, vector<1000x128xf32> -> vector<1000x128xf32>
    %add3A_24 = arith.addf %dot_general3A_15, %dot_general3A_23 : vector<1000x128xf32>
    %get3A_25 = arith.constant 0 : index
    %get3A_26 = arith.constant 0 : index
    %get3A_27 = vector.load %arg7[%get3A_25, %get3A_26] : memref<1x128xf32, #tpu.memory_space<vmem>>, vector<1x128xf32>
    %add3A_28 = vector.broadcast %get3A_27 : vector<1x128xf32> to vector<1000x128xf32>
    %add3A_29 = arith.addf %add3A_24, %add3A_28 : vector<1000x128xf32>
    %max3A_30 = arith.constant 0.000000e+00 : f32
    %max3A_31 = vector.broadcast %max3A_30 : f32 to vector<1000x128xf32>
    %max3A_32 = arith.maximumf %add3A_29, %max3A_31 : vector<1000x128xf32>
    %get3A_33 = arith.constant 0 : index
    %get3A_34 = arith.constant 0 : index
    %get3A_35 = vector.load %arg8[%get3A_33, %get3A_34] : memref<4x128xf32, #tpu.memory_space<vmem>>, vector<4x128xf32>
    %dot_general3A_36 = arith.constant dense<0.000000e+00> : vector<1000x4xf32>
    %dot_general3A_37 = tpu.matmul %max3A_32, %get3A_35, %dot_general3A_36 {dimension_numbers = #tpu.dot_dimension_numbers<[1], [1], [0], [0], [0, 0, 1, 0], [], []>, transpose_lhs_hint = false} : vector<1000x128xf32>, vector<4x128xf32>, vector<1000x4xf32> -> vector<1000x4xf32>
    %slice3A = vector.extract_strided_slice %dot_general3A_37 {offsets = [0, 0], sizes = [1000, 1], strides = [1, 1]} : vector<1000x4xf32> to vector<1000x1xf32>
    %swap3A = arith.constant 0 : index
    %swap3A_38 = arith.constant 0 : index
    %swap3A_39 = vector.load %arg10[%swap3A, %swap3A_38] : memref<1000x1xf32, #tpu.memory_space<vmem>>, vector<1000x1xf32>
    tpu.vector_store %arg10[%swap3A, %swap3A_38], %slice3A {strides = array<i32>} : memref<1000x1xf32, #tpu.memory_space<vmem>>, vector<1000x1xf32>,
    %slice3A_40 = vector.extract_strided_slice %dot_general3A_37 {offsets = [0, 1], sizes = [1000, 1], strides = [1, 1]} : vector<1000x4xf32> to vector<1000x1xf32>
    %swap3A_41 = arith.constant 0 : index
    %swap3A_42 = arith.constant 0 : index
    %swap3A_43 = vector.load %arg11[%swap3A_41, %swap3A_42] : memref<1000x1xf32, #tpu.memory_space<vmem>>, vector<1000x1xf32>
    tpu.vector_store %arg11[%swap3A_41, %swap3A_42], %slice3A_40 {strides = array<i32>} : memref<1000x1xf32, #tpu.memory_space<vmem>>, vector<1000x1xf32>,
    %slice3A_44 = vector.extract_strided_slice %dot_general3A_37 {offsets = [0, 2], sizes = [1000, 2], strides = [1, 1]} : vector<1000x4xf32> to vector<1000x2xf32>
    %get3A_45 = arith.constant 0 : index
    %get3A_46 = arith.constant 0 : index
    %get3A_47 = vector.load %arg9[%get3A_45, %get3A_46] : memref<1x2xf32, #tpu.memory_space<vmem>>, vector<1x2xf32>
    %add3A_48 = vector.broadcast %get3A_47 : vector<1x2xf32> to vector<1000x2xf32>
    %add3A_49 = arith.addf %slice3A_44, %add3A_48 : vector<1000x2xf32>
    %swap3A_50 = arith.constant 0 : index
    %swap3A_51 = arith.constant 0 : index
    %swap3A_52 = vector.load %arg12[%swap3A_50, %swap3A_51] : memref<1000x2xf32, #tpu.memory_space<vmem>>, vector<1000x2xf32>
    tpu.vector_store %arg12[%swap3A_50, %swap3A_51], %add3A_49 {strides = array<i32>} : memref<1000x2xf32, #tpu.memory_space<vmem>>, vector<1000x2xf32>,
    return
  }
  func.func @transform_0(%arg0: i32) -> (i32, i32) {
    %c0_i32 = arith.constant 0 : i32
    %c0_i32_0 = arith.constant 0 : i32
    return %arg0, %c0_i32 : i32, i32
  }
  func.func @transform_1(%arg0: i32) -> (i32, i32) {
    %c0_i32 = arith.constant 0 : i32
    %c0_i32_0 = arith.constant 0 : i32
    return %arg0, %c0_i32 : i32, i32
  }
  func.func @transform_2(%arg0: i32) -> (i32, i32) {
    %c0_i32 = arith.constant 0 : i32
    %c0_i32_0 = arith.constant 0 : i32
    return %arg0, %c0_i32 : i32, i32
  }
  func.func @transform_3(%arg0: i32) -> (i32, i32) {
    %c0_i32 = arith.constant 0 : i32
    %c0_i32_0 = arith.constant 0 : i32
    return %arg0, %c0_i32 : i32, i32
  }
  func.func @transform_4(%arg0: i32) -> (i32, i32) {
    %c0_i32 = arith.constant 0 : i32
    %c0_i32_0 = arith.constant 0 : i32
    %c0_i32_1 = arith.constant 0 : i32
    return %c0_i32, %c0_i32_0 : i32, i32
  }
  func.func @transform_5(%arg0: i32) -> (i32, i32) {
    %c0_i32 = arith.constant 0 : i32
    %c0_i32_0 = arith.constant 0 : i32
    %c0_i32_1 = arith.constant 0 : i32
    return %c0_i32, %c0_i32_0 : i32, i32
  }
  func.func @transform_6(%arg0: i32) -> (i32, i32) {
    %c0_i32 = arith.constant 0 : i32
    %c0_i32_0 = arith.constant 0 : i32
    %c0_i32_1 = arith.constant 0 : i32
    return %c0_i32, %c0_i32_0 : i32, i32
  }
  func.func @transform_7(%arg0: i32) -> (i32, i32) {
    %c0_i32 = arith.constant 0 : i32
    %c0_i32_0 = arith.constant 0 : i32
    %c0_i32_1 = arith.constant 0 : i32
    return %c0_i32, %c0_i32_0 : i32, i32
  }
  func.func @transform_8(%arg0: i32) -> (i32, i32) {
    %c0_i32 = arith.constant 0 : i32
    %c0_i32_0 = arith.constant 0 : i32
    %c0_i32_1 = arith.constant 0 : i32
    return %c0_i32, %c0_i32_0 : i32, i32
  }
  func.func @transform_9(%arg0: i32) -> (i32, i32) {
    %c0_i32 = arith.constant 0 : i32
    %c0_i32_0 = arith.constant 0 : i32
    return %arg0, %c0_i32 : i32, i32
  }
  func.func @transform_10(%arg0: i32) -> (i32, i32) {
    %c0_i32 = arith.constant 0 : i32
    %c0_i32_0 = arith.constant 0 : i32
    return %arg0, %c0_i32 : i32, i32
  }
  func.func @transform_11(%arg0: i32) -> (i32, i32) {
    %c0_i32 = arith.constant 0 : i32
    %c0_i32_0 = arith.constant 0 : i32
    return %arg0, %c0_i32 : i32, i32
  }
}

module attributes {stable_mosaic.version = 14 : i64} {
  func.func @_final_body(%arg0: i32, %arg1: memref<1000x64xf32, #tpu.memory_space<vmem>>, %arg2: memref<1000x32xf32, #tpu.memory_space<vmem>>, %arg3: memref<1000x2xf32, #tpu.memory_space<vmem>>, %arg4: memref<1000x2xf32, #tpu.memory_space<vmem>>) attributes {dimension_semantics = [#tpu.dimension_semantics<arbitrary>], iteration_bounds = array<i64: 10>, scalar_prefetch = 0 : i64, scratch_operands = 0 : i64, tpu.core_type = #tpu.core_type<tc>, window_params = [{transform_indices = @transform_0, window_bounds = array<i64: 1000, 64>}, {transform_indices = @transform_1, window_bounds = array<i64: 1000, 32>}, {transform_indices = @transform_2, window_bounds = array<i64: 1000, 2>}, {transform_indices = @transform_3, window_bounds = array<i64: 1000, 2>}]} {
    %get3A = arith.constant 0 : index
    %get3A_0 = arith.constant 0 : index
    %get3A_1 = vector.load %arg2[%get3A, %get3A_0] : memref<1000x32xf32, #tpu.memory_space<vmem>>, vector<1000x32xf32>
    %reduce_sum3A = arith.constant dense<0.000000e+00> : vector<1000xf32>
    %reduce_sum3A_2 = vector.multi_reduction <add>, %get3A_1, %reduce_sum3A [1] : vector<1000x32xf32> to vector<1000xf32>
    %broadcast_in_dim3A = vector.shape_cast %reduce_sum3A_2 : vector<1000xf32> to vector<1000x1xf32>
    %max3A = arith.constant 1.000000e+00 : f32
    %max3A_3 = vector.broadcast %max3A : f32 to vector<1000x1xf32>
    %max3A_4 = arith.maximumf %broadcast_in_dim3A, %max3A_3 : vector<1000x1xf32>
    %get3A_5 = arith.constant 0 : index
    %get3A_6 = arith.constant 0 : index
    %get3A_7 = vector.load %arg1[%get3A_5, %get3A_6] : memref<1000x64xf32, #tpu.memory_space<vmem>>, vector<1000x32xf32>
    %reduce_sum3A_8 = arith.constant dense<0.000000e+00> : vector<1000xf32>
    %reduce_sum3A_9 = vector.multi_reduction <add>, %get3A_7, %reduce_sum3A_8 [1] : vector<1000x32xf32> to vector<1000xf32>
    %broadcast_in_dim3A_10 = vector.shape_cast %reduce_sum3A_9 : vector<1000xf32> to vector<1000x1xf32>
    %get3A_11 = arith.constant 0 : index
    %get3A_12 = arith.constant 32 : index
    %get3A_13 = vector.load %arg1[%get3A_11, %get3A_12] : memref<1000x64xf32, #tpu.memory_space<vmem>>, vector<1000x32xf32>
    %reduce_sum3A_14 = arith.constant dense<0.000000e+00> : vector<1000xf32>
    %reduce_sum3A_15 = vector.multi_reduction <add>, %get3A_13, %reduce_sum3A_14 [1] : vector<1000x32xf32> to vector<1000xf32>
    %broadcast_in_dim3A_16 = vector.shape_cast %reduce_sum3A_15 : vector<1000xf32> to vector<1000x1xf32>
    %concatenate3A = tpu.concatenate %broadcast_in_dim3A_10, %broadcast_in_dim3A_16 in 1 : vector<1000x1xf32>, vector<1000x1xf32> -> vector<1000x2xf32>
    %div3A = vector.broadcast %max3A_4 : vector<1000x1xf32> to vector<1000x2xf32>
    %div3A_17 = arith.divf %concatenate3A, %div3A : vector<1000x2xf32>
    %get3A_18 = arith.constant 0 : index
    %get3A_19 = arith.constant 0 : index
    %get3A_20 = vector.load %arg3[%get3A_18, %get3A_19] : memref<1000x2xf32, #tpu.memory_space<vmem>>, vector<1000x2xf32>
    %add3A = arith.addf %div3A_17, %get3A_20 : vector<1000x2xf32>
    %swap3A = arith.constant 0 : index
    %swap3A_21 = arith.constant 0 : index
    %swap3A_22 = vector.load %arg4[%swap3A, %swap3A_21] : memref<1000x2xf32, #tpu.memory_space<vmem>>, vector<1000x2xf32>
    tpu.vector_store %arg4[%swap3A, %swap3A_21], %add3A {strides = array<i32>} : memref<1000x2xf32, #tpu.memory_space<vmem>>, vector<1000x2xf32>,
    return
  }
  func.func @transform_0(%arg0: i32) -> (i32, i32) {
    %c0_i32 = arith.constant 0 : i32
    %c0_i32_0 = arith.constant 0 : i32
    return %arg0, %c0_i32 : i32, i32
  }
  func.func @transform_1(%arg0: i32) -> (i32, i32) {
    %c0_i32 = arith.constant 0 : i32
    %c0_i32_0 = arith.constant 0 : i32
    return %arg0, %c0_i32 : i32, i32
  }
  func.func @transform_2(%arg0: i32) -> (i32, i32) {
    %c0_i32 = arith.constant 0 : i32
    %c0_i32_0 = arith.constant 0 : i32
    return %arg0, %c0_i32 : i32, i32
  }
  func.func @transform_3(%arg0: i32) -> (i32, i32) {
    %c0_i32 = arith.constant 0 : i32
    %c0_i32_0 = arith.constant 0 : i32
    return %arg0, %c0_i32 : i32, i32
  }
}

</mosaic_0001>

<sc_bundles>
// kernel: sage_agg1.3.cloned.1.call-start
scs
__scs_entry_jumppad:
0x0: {  	(pc) =	sbr.rel $0x88, $3  }
0x1: {  	(tag) =	ssettag $0x0;
	lr =	simm.s32 $0x1  }
0x2: {  	[smem:$0x3F99] =	sst lr;
	_ =	strace $0xD0000000  }
0x3: {  	_ = 	snop  }
0x4: {  	_ = 	snop  }
0x5: {  	_ = 	snop  }
0x6: {  	_ = 	snop  }
0x7: {  	_ = 	snop  }
__scs_overlays_trampoline_lowered:
0x8: {  	[smem:$0x3FA8] =	sst s0  }
0x9: {  	[smem:$0x3FA9] =	sst s1  }
0xa: {  	[smem:$0x3FAA] =	sst s2  }
0xb: {  	[smem:$0x3FAB] =	sst s3  }
0xc: {  	[smem:$0x3FAC] =	sst s4  }
0xd: {  	[smem:$0x3FAD] =	sst s5  }
0xe: {  	[smem:$0x3FAE] =	sst s6  }
0xf: {  	[smem:$0x3FAF] =	sst s7  }
0x10: {  	[smem:$0x3FB0] =	sst s8  }
0x11: {  	[smem:$0x3FB1] =	sst s9;
	s0 =	simm.s32 @!p0 $0x0  }
0x12: {  	s1 =	sld [smem:$0x3F97];
	s0 =	simm.s32 @p0 $0x1  }
0x13: {  	[smem:$0x3FB2] =	sst s0;
	s0 =	simm.s32 @!p1 $0x0  }
0x14: {  	s2 =	sld [smem:$0x3F96];
	s0 =	simm.s32 @p1 $0x1  }
0x15: {  	[smem:$0x3FB3] =	sst s0;
	s0 =	simm.s32 @!p2 $0x0  }
0x16: {  	s3 =	sld [smem:$0x3FDB];
	s0 =	simm.s32 @p2 $0x1  }
0x17: {  	s4 =	simm.s32 $0x1BF5;
	[smem:$0x3FB5] =	sst s0  }
0x18: {  	s0 =	sld [smem:$0x3F98];
	_ =	swait.ge [sflag:s4], $0x0  }
0x19: {  	s7 =	sld [smem:$0x3F99]  }
0x1a: {  	s8 =	sadd.s32 $0xFFFFE003, lr  }
0x1b: {  	s9 =	sadd.s32 $0xFFFFFEF7, lr;
	s5 =	simm.s32 $0xFFFFFFFF;
	p2 =	slt.u32 s8, $0xFFFFF086  }
0x1c: {  	p1 =	slt.u32 s9, $0xF7A;
	s5 =	simm.s32 @!p2 $0x0  }
0x1d: {  	s5 =	simm.s32 @p1 $0x1;
	p0 =	seq.s32 s7, s2  }
0x1e: {  	s7 =	smul.u32 @!p0 $0xF7A, s2;
	p2 =	seq.s32 @!p0 s5, $0x0  }
0x1f: {  	s9 =	smul.u32 $0xF7A, s1;
	s8 =	simm.s32 @!p0 $0x1BF5;
	p2 =	por !p2, p0  }
0x20: {  	[sflag:s8] =	ssyncset.s32 @!p0 $0xFFFFF086;
	s6 =	sadd.s32 @!p0 s3, s7;
	s7 =	simm.s32 @!p0 $0x108  }
0x21: {  	s3 =	sadd.s32 s3, s9;
	s6 =	sadd.s32 @!p0 $0x88, s6;
	s7 =	simm.s32 @p2 $0x1082  }
0x22: {  	[simem:s7], [sflag:s8] =	dma.local @!p0 [hbm:s6], $0xF7A  }
0x23: {  	s9 =	sor.u32 $0xD0000000, s2;
	s6 =	simm.s32 $0x108;
	_ =	swait.ge @!p0 [sflag:s8], $0x0  }
0x24: {  	s3 =	sadd.s32 $0x88, s3;
	s6 =	simm.s32 @!p1 $0x1082;
	[sflag:s4] =	ssyncset.s32 $0xFFFFF086  }
0x25: {  	[simem:s6], [sflag:s4] =	dma.local [hbm:s3], $0xF7A  }
0x26: {  	[smem:$0x3F99] =	sst s1;
	(tag) =	ssettag s2;
	_ =	strace s9  }
0x27: {  	s1 =	sld [smem:$0x3FA9]  }
0x28: {  	s2 =	sld [smem:$0x3FAA]  }
0x29: {  	s4 =	sld [smem:$0x3FAC]  }
0x2a: {  	p0 =	seq.s32 s5, $0x0;
	s5 =	sld [smem:$0x3FAD]  }
0x2b: {  	s6 =	sld [smem:$0x3FAE]  }
0x2c: {  	s7 =	sld [smem:$0x3FAF]  }
0x2d: {  	s3 =	simm.s32 $0x108;
	s8 =	sld [smem:$0x3FB0]  }
0x2e: {  	s3 =	simm.s32 @!p0 $0x1082;
	s9 =	sld [smem:$0x3FB1]  }
0x2f: {  	lr =	sadd.s32 s0, s3;
	s0 =	sld [smem:$0x3FA8]  }
0x30: {  	s3 =	sld [smem:$0x3FAB]  }
0x31: {  	[smem:$0x3FB4] =	sst s10  }
0x32: {  	s10 =	sld [smem:$0x3FB2];
	_ =	sdelay $0x3  }
0x33: {  	p0 =	seq.s32 s10, $0x1;
	s10 =	sld [smem:$0x3FB4];
	_ =	sdelay $0x3  }
0x34: {  	[smem:$0x3FB4] =	sst s10  }
0x35: {  	s10 =	sld [smem:$0x3FB3];
	_ =	sdelay $0x3  }
0x36: {  	p1 =	seq.s32 s10, $0x1;
	s10 =	sld [smem:$0x3FB4];
	_ =	sdelay $0x3  }
0x37: {  	[smem:$0x3FB4] =	sst s10  }
0x38: {  	s10 =	sld [smem:$0x3FB5]  }
0x39: {  	_ = 	snop;
	(pc) =	sbr.ind lr, $3  }
0x3a: {  	_ = 	snop  }
0x3b: {  	_ = 	snop  }
0x3c: {  	p2 =	seq.s32 s10, $0x1;
	s10 =	sld [smem:$0x3FB4]  }
0x3d: {  	_ =	shalt  }
0x3e: {  	_ =	shalt  }
0x3f: {  	_ =	shalt  }
0x40: {  	_ =	shalt  }
0x41: {  	_ =	shalt  }
0x42: {  	_ =	shalt  }
0x43: {  	_ =	shalt  }
0x44: {  	_ =	shalt  }
0x45: {  	_ =	shalt  }
0x46: {  	_ =	shalt  }
0x47: {  	_ =	shalt  }
0x48: {  	_ =	shalt  }
0x49: {  	_ =	shalt  }
0x4a: {  	_ =	shalt  }
0x4b: {  	_ =	shalt  }
0x4c: {  	_ =	shalt  }
0x4d: {  	_ =	shalt  }
0x4e: {  	_ =	shalt  }
0x4f: {  	_ =	shalt  }
0x50: {  	_ =	shalt  }
0x51: {  	_ =	shalt  }
0x52: {  	_ =	shalt  }
0x53: {  	_ =	shalt  }
0x54: {  	_ =	shalt  }
0x55: {  	_ =	shalt  }
0x56: {  	_ =	shalt  }
0x57: {  	_ =	shalt  }
0x58: {  	_ =	shalt  }
0x59: {  	_ =	shalt  }
0x5a: {  	_ =	shalt  }
0x5b: {  	_ =	shalt  }
0x5c: {  	_ =	shalt  }
0x5d: {  	_ =	shalt  }
0x5e: {  	_ =	shalt  }
0x5f: {  	_ =	shalt  }
0x60: {  	_ =	shalt  }
0x61: {  	_ =	shalt  }
0x62: {  	_ =	shalt  }
0x63: {  	_ =	shalt  }
0x64: {  	_ =	shalt  }
0x65: {  	_ =	shalt  }
0x66: {  	_ =	shalt  }
0x67: {  	_ =	shalt  }
0x68: {  	_ =	shalt  }
0x69: {  	_ =	shalt  }
0x6a: {  	_ =	shalt  }
0x6b: {  	_ =	shalt  }
0x6c: {  	_ =	shalt  }
0x6d: {  	_ =	shalt  }
0x6e: {  	_ =	shalt  }
0x6f: {  	_ =	shalt  }
0x70: {  	_ =	shalt  }
0x71: {  	_ =	shalt  }
0x72: {  	_ =	shalt  }
0x73: {  	_ =	shalt  }
0x74: {  	_ =	shalt  }
0x75: {  	_ =	shalt  }
0x76: {  	_ =	shalt  }
0x77: {  	_ =	shalt  }
0x78: {  	_ =	shalt  }
0x79: {  	_ =	shalt  }
0x7a: {  	_ =	shalt  }
0x7b: {  	_ =	shalt  }
0x7c: {  	_ =	shalt  }
0x7d: {  	_ =	shalt  }
0x7e: {  	_ =	shalt  }
0x7f: {  	_ =	shalt  }
0x80: {  	_ =	shalt  }
0x81: {  	_ =	shalt  }
0x82: {  	_ =	shalt  }
0x83: {  	_ =	shalt  }
0x84: {  	_ =	shalt  }
0x85: {  	_ =	shalt  }
0x86: {  	_ =	shalt  }
0x87: {  	_ =	shalt  }
.Lfunc_end0:
.L_simem_size_0:
called_computation_lowered:
.L_overlay_start_0:
0x88: {  	s2 =	sld [smem:$0x3FD9]  }
0x89: {  	s3 =	sld [smem:$0x3FFE];
	_ =	sdelay $0x1  }
0x8a: {  	s1 =	srdreg.scid  }
0x8b: {  	s0 =	sand.u32 $0x1, s1  }
0x8c: {  	s17 =	sshll.u32 s0, $0xA;
	s2 =	sadd.s32 s3, s2  }
0x8d: {  	s2 =	sadd.s32 s2, s17  }
0x8e: {  	[smem:$0x3FC0] =	sst s2  }
0x8f: {  	_ = 	snop  }
0x90: {  	s2 =	sld [smem:$0x3FC9]  }
0x91: {  	s18 =	sld [smem:$0x3FD0];
	(tm) =	ssettm $0x1  }
0x92: {  	s4 =	sld [smem:$0x3FFB];
	_ =	sdelay $0x3  }
0x93: {  	_ =	strace s4  }
0x94: {  	s4 =	sld [smem:$0x3FFC];
	_ =	sdelay $0x3  }
0x95: {  	_ =	strace s4  }
0x96: {  	s4 =	sld [smem:$0x3FFD];
	_ =	sdelay $0x3  }
0x97: {  	_ =	strace s4  }
0x98: {  	_ =	strace $0x8FFFFFFF  }
0x99: {  	s19 =	sld [smem:$0x3FDB];
	_ =	sdelay $0x1  }
0x9a: {  	s5 =	simm.s32 $_scs_section_size  }
0x9b: {  	s6 =	simm.s32 $_size__tile_overlayer_lowered;
	s7 =	simm.s32 $_tile_overlayer_lowered  }
0x9c: {  	s22 =	simm.s32 $0x1BFF;
	s21 =	sshll.u32 s7, $0x1;
	s4 =	sadd.s32 s5, s19  }
0x9d: {  	s8 =	simm.s32 $0x0;
	s20 =	sshll.u32 s6, $0x1;
	s6 =	sadd.s32 s21, s4  }
0x9e: {  	[timem:s8], [sflag:s22] =	dma.local [hbm:s6], s20  }
0x9f: {  	_ =	swait.ge [sflag:s22], s20  }
0xa0: {  	s5 =	ssub.s32 $0x0, s20;
	[sflag:s22] =	ssyncset.done $0x0  }
0xa1: {  	[sflag:s22] =	ssyncadd.s32 s5;
	_ =	sdelay $0x1  }
0xa2: {  	s23 =	simm.s32 $0x1B8B  }
0xa3: {  	_ =	swait.ge [sflag:s23], $0x1  }
0xa4: {  	[sflag:s23] =	ssyncset.done $0x0  }
0xa5: {  	s25 =	simm.s32 $0x1B8E;
	s24 =	sld [smem:$0x3FFE];
	[sflag:s23] =	ssyncadd.s32 $0xFFFFFFFF  }
0xa6: {  	s26 =	simm.s32 $execute0_lowered;
	[smem:$0x3FD2] =	sst s25  }
0xa7: {  	s6 =	sshll.u32 s26, $0x1;
	_ =	strace $0x80000046;
	[dreg:$0x1] =	wrdreg $0xFFFFFFFF  }
0xa8: {  	s28 =	simm.s32 $_size_execute0_lowered;
	s4 =	sadd.s32 s4, s6;
	[dreg:$0x0] =	wrdreg $0x0  }
0xa9: {  	s6 =	sshll.u32 s28, $0x1;
	[dreg:$0x2] =	wrdreg s4  }
0xaa: {  	[dreg:$0x3] =	wrdreg s6  }
0xab: {  	[dreg:$0x4] =	wrdreg $0xC0  }
0xac: {  	_ =	task [dreg:s8], $0x5FFFF  }
0xad: {  	[dreg:$0x1] =	wrdreg $0xFFFFFFFF  }
0xae: {  	[dreg:$0x0] =	wrdreg $0x60  }
0xaf: {  	[dreg:$0x2] =	wrdreg s2  }
0xb0: {  	[dreg:$0x3] =	wrdreg s24  }
0xb1: {  	[dreg:$0x4] =	wrdreg s18  }
0xb2: {  	[dreg:$0x5] =	wrdreg $0xB2800  }
0xb3: {  	[dreg:$0x6] =	wrdreg $0x9  }
0xb4: {  	_ =	task.clear_ibuf [dreg:s8], $0x7FFFF;
	_ =	strace $0x90000046  }
0xb5: {  	s29 =	simm.s32 $0x9;
	_ =	strace $0x80000048  }
0xb6: {  	_ =	swait.ge [sflag:s29], $0x1  }
0xb7: {  	[sflag:s29] =	ssyncadd.s32 $0xFFFFFFFF  }
0xb8: {  	_ =	strace $0x90000048  }
0xb9: {  	_ =	sfence  }
0xba: {  	s30 =	sld [smem:$0x0];
	_ =	sdelay $0x2  }
0xbb: {  	s31 =	sshll.u32 s1, $0xD;
	s1 =	sshrl.u32 s1, $0x2  }
0xbc: {  	s3 =	sand.u32 $0x4000, s31;
	s1 =	sadd.s32 s1, s30  }
0xbd: {  	s0 =	sor.u32 s3, s0;
	s1 =	sshll.u32 s1, $0x11  }
0xbe: {  	s0 =	sor.u32 s1, s0  }
0xbf: {  	s0 =	sadd.s32 $0x8F2B, s0  }
0xc0: {  	[sflag:s0] =	ssyncadd.remote.s32 $0x1  }
0xc1: {  	_ =	sfence.sel $0xFFFF  }
0xc2: {  	[dreg:$0x0] =	wrdreg $0xFFFFFFFF;
	(pc) =	sbr.abs _section_cstart, $3  }
0xc3: {  	[dreg:$0x1] =	wrdreg $0xFFFFFFFF  }
0xc4: {  	_ =	task.clear_ibuf [dreg:s8], $0x2FFFF;
	_ =	strace $0x9FFFFFFF  }
0xc5: {  	(tm) =	ssettm $0x7FFFFFFF  }
tec
execute0_lowered:
.L_overlay_start_1:
0x0: {  	(tag) =	ssettag $0x1  }
0x1: {  	s1 =	rddreg [dreg:$0x0]  }
0x2: {  	s0 =	rddreg [dreg:$0x1]  }
0x3: {  	s3 =	rddreg [dreg:$0x3];
	s4 =	simm.s32 $0x0  }
0x4: {  	s2 =	srdreg.scid;
	s15 =	stileid.u32;
	s28 =	simm.s32 $0x180  }
0x5: {  	s29 =	simm.s32 $0x4;
	s30 =	simm.s32 $0x4300;
	s31 =	simm.s32 $0x1  }
0x6: {  	[smem:$0x7FF] =	sst s4;
	s2 =	sand.u32 $0x1, s2;
	s8 =	smul.u32 $0x3E800, s15  }
0x7: {  	s6 =	sadd.s32 $0x1400, s0;
	s10 =	smul.u32 $0x7D00, s15;
	s19 =	sshll.u32 s15, $0x7  }
0x8: {  	s12 =	smul.u32 $0xFA000, s15;
	p0 =	sgt.u32 s15, $0x4;
	_ =	strace $0x80000047  }
0x9: {  	s5 =	smul.u32 $0x138800, s2;
	s7 =	sshll.u32 s2, $0x4;
	s11 =	sand.u32 $0x380, s19  }
0xa: {  	s2 =	ssub.s32 $0x2, s2;
	s9 =	sor.u32 s15, s7;
	s7 =	sadd.s32 $0xB200, s0  }
0xb: {  	s10 =	sadd.s32 s10, s0;
	s14 =	sshrl.u32 s2, $0x1;
	s12 =	sshrl.u32 s12, $0x2  }
0xc: {  	s9 =	sshrl.u32 s9, $0x3;
	s5 =	sadd.s32 s8, s5;
	s2 =	ssub.s32 s2, s14  }
0xd: {  	s12 =	sadd.s32 s12, s3;
	s10 =	sadd.s32 $0x15000, s10;
	s8 =	simm.s32 $0x10  }
0xe: {  	s18 =	smul.u32 $0x13C00, s9;
	s5 =	sshrl.u32 s5, $0x3;
	[dreg:$0x5] =	wrdreg s12  }
0xf: {  	[dreg:$0x6] =	wrdreg s10;
	s9 =	sor.u32 $0xC00, s19;
	s2 =	smax.u32 s2, $0x1  }
0x10: {  	s5 =	sadd.s32 s5, s0;
	[dreg:$0xf] =	wrdreg s2;
	s2 =	simm.s32 $0x200  }
0x11: {  	s11 =	sor.u32 s11, s18;
	s26 =	sadd.s32 s18, s9;
	s5 =	sadd.s32 $0x3C200, s5  }
0x12: {  	s9 =	simm.s32 $0x8300;
	s13 =	sshrl.u32 s11, $0x3;
	s20 =	sadd.s32 $0x400, s11  }
0x13: {  	[dreg:$0xe] =	wrdreg s5;
	s0 =	sadd.s32 s13, s0;
	s21 =	sadd.s32 s6, s13  }
0x14: {  	s10 =	sshrl.u32 s20, $0x3;
	s13 =	sadd.s32 s7, s13;
	[dreg:$0x7] =	wrdreg s21  }
0x15: {  	s22 =	sadd.s32 $0x13800, s11;
	[dreg:$0x8] =	wrdreg s13;
	s23 =	sadd.s32 s6, s10  }
0x16: {  	s12 =	sshrl.u32 s22, $0x3;
	s10 =	sadd.s32 s7, s10;
	[dreg:$0x9] =	wrdreg s23  }
0x17: {  	s14 =	sadd.s32 $0x800, s11;
	s24 =	sadd.s32 s6, s12;
	[dreg:$0xa] =	wrdreg s10  }
0x18: {  	s5 =	simm.s32 $0x280;
	s25 =	sadd.s32 s7, s12;
	[dreg:$0xb] =	wrdreg s24  }
.Ltmp0:
0x19: {  	s0 =	sadd.s32 $0x8A400, s0;
	[dreg:$0xc] =	wrdreg s25;
	(pc) =	sbr.rel .LBB2_1-.Ltmp0, $4  }
0x1a: {  	s11 =	simm.s32 $0x0;
	s22 =	simm.s32 $0x8B00;
	[dreg:$0xd] =	wrdreg s0  }
0x1b: {  	s0 =	sshrl.u32 s26, $0x3;
	s23 =	simm.s32 $0x5;
	s24 =	simm.s32 $0x100  }
0x1c: {  	s25 =	simm.s32 $0x80;
	s26 =	simm.s32 $0x300;
	s10 =	simm.s32 $0x3  }
0x1d: {  	v0 =	vimm.f32 $1.000000000e+00;
	s19 =	sadd.s32 s0, s7;
	s20 =	sadd.s32 s0, s6;
	s0 =	simm.s32 $0x2  }
.LBB2_4:
0x1e: {  	[spmem:s3] =	stream.indirect.scatter.add.f32 [tilespmem:s30], [sflag:$0x5], $0x80, s28, s25, $0xb8;
	[tilespmem:$0x1EB00] =	vst v63  }
0x1f: {  	_ =	swait.ge [sflag:s23], $0x4000  }
0x20: {  	[sflag:s23] =	ssyncset.done $0x0  }
0x21: {  	s15 =	rddreg [dreg:$0xb];
	[sflag:s23] =	ssyncadd.s32 $0xFFFFC000  }
0x22: {  	[tilespmem:s2], [sflag:$0x5] =	stream.linear.gather [hbm4b:s15+s4], $0x80, $0x38;
	[tilespmem:$0x1EB00] =	vst v63  }
0x23: {  	_ =	swait.ge [sflag:s23], $0x80  }
0x24: {  	[sflag:s23] =	ssyncset.done $0x0  }
0x25: {  	s17 =	rddreg [dreg:$0xc];
	[sflag:s23] =	ssyncadd.s32 $0xFFFFFF80  }
0x26: {  	[tilespmem:s5], [sflag:$0x5] =	stream.linear.gather [hbm4b:s17+s4], $0x80, $0x38;
	[tilespmem:$0x1EB00] =	vst v63  }
0x27: {  	_ =	swait.ge [sflag:s23], $0x80  }
0x28: {  	[sflag:s23] =	ssyncset.done $0x0  }
0x29: {  	[sflag:s23] =	ssyncadd.s32 $0xFFFFFF80  }
0x2a: {  	[tilespmem:s9], [sflag:$0x1] =	stream.indirect.gather [hbm4b:s1+s8], $0x80, s2, s8, $0xb8;
	[tilespmem:$0x1EB00] =	vst v63  }
0x2b: {  	_ =	swait.ge [sflag:s31], $0x800  }
0x2c: {  	[sflag:s31] =	ssyncset.done $0x0  }
0x2d: {  	[sflag:s31] =	ssyncadd.s32 $0xFFFFF800  }
0x2e: {  	v1 =	vld [tilespmem:$0x280];
	_ =	sdelay $0x7  }
0x2f: {  	[tilespmem:v1+s22+$0x0] =	vst.idx.add.f32.msk $0xffff, v0  }
0x30: {  	[spmem:s3] =	stream.indirect.scatter.add.f32 [tilespmem:s9], [sflag:$0x5], $0x80, s5, s8, $0xb8;
	[tilespmem:$0x1EB00] =	vst v63  }
0x31: {  	_ =	swait.ge [sflag:s23], $0x800  }
0x32: {  	[sflag:s23] =	ssyncset.done $0x0  }
0x33: {  	s16 =	simm.s32 $0x400;
	s18 =	rddreg [dreg:$0xd];
	[sflag:s23] =	ssyncadd.s32 $0xFFFFF800  }
0x34: {  	[hbm4b:s18+s25] =	stream.strided.scatter [tilespmem:s22], [sflag:$0x5], $0x2780, s16, s25, $0x38;
	[tilespmem:$0x1EB00] =	vst v63  }
0x35: {  	_ =	swait.ge [sflag:s23], $0x2780  }
0x36: {  	[sflag:s23] =	ssyncset.done $0x0  }
0x37: {  	[sflag:s23] =	ssyncadd.s32 $0xFFFFD880  }
0x38: {  	[bflag:$0x0] =	sbarrier.arrive $0xFFFF  }
0x39: {  	s15 =	rddreg [dreg:$0xe]  }
0x3a: {  	[hbm:s15], [sflag:s12] =	dma.local @!p0 [spmem:s13], $0x7D00  }
0x3b: {  	s12 =	simm.s32 @!p0 $0x5  }
0x3c: {  	_ =	swait.ge @!p0 [sflag:s12], $0x7D00  }
0x3d: {  	s11 =	sadd.s32 $0x1, s11;
	s21 =	rddreg [dreg:$0xf]  }
0x3e: {  	p1 =	sne.s32 s11, s21  }
.Ltmp1:
0x3f: {  	_ = 	snop;
	(pc) =	sbr.rel @!p1 .LBB2_5-.Ltmp1, $3  }
0x40: {  	_ =	sdelay $0x1  }
0x41: {  	[sflag:s12] =	ssyncset.done @!p0 $0x0  }
0x42: {  	[sflag:s12] =	ssyncadd.s32 @!p0 $0xFFFF8300  }
.LBB2_1:
0x43: {  	s12 =	stileid.u32  }
0x44: {  	s13 =	rddreg [dreg:$0x5];
	s12 =	sshll.u32 @!p0 s12, $0x6  }
0x45: {  	s15 =	rddreg [dreg:$0x6];
	s13 =	sshrl.u32 @!p0 s13, $0x3;
	s12 =	sor.u32 @!p0 $0x1C05, s12  }
0x46: {  	[spmem:s13], [sflag:s12] =	dma.local @!p0 [hbm:s15], $0x7D00  }
0x47: {  	s15 =	simm.s32 @!p0 $0x5  }
0x48: {  	_ =	swait.ge @!p0 [sflag:s15], $0x7D00  }
0x49: {  	[sflag:s15] =	ssyncset.done @!p0 $0x0  }
0x4a: {  	[sflag:s15] =	ssyncadd.s32 @!p0 $0xFFFF8300  }
0x4b: {  	s15 =	rddreg [dreg:$0x2]  }
0x4c: {  	[tilespmem:s22], [sflag:$0x5] =	stream.linear.gather [hbm4b:s15+s4], $0x2780, $0x38;
	[tilespmem:$0x1EB00] =	vst v63  }
0x4d: {  	_ =	swait.ge [sflag:s23], $0x2780  }
0x4e: {  	[sflag:s23] =	ssyncset.done $0x0  }
0x4f: {  	[sflag:s23] =	ssyncadd.s32 $0xFFFFD880  }
0x50: {  	[bflag:$0x0] =	sbarrier.arrive $0xFFFF  }
0x51: {  	s16 =	rddreg [dreg:$0x7]  }
0x52: {  	[tilespmem:s4], [sflag:$0x5] =	stream.linear.gather [hbm4b:s16+s4], $0x80, $0x38;
	[tilespmem:$0x1EB00] =	vst v63  }
0x53: {  	_ =	swait.ge [sflag:s23], $0x80  }
0x54: {  	[sflag:s23] =	ssyncset.done $0x0  }
0x55: {  	s17 =	rddreg [dreg:$0x8];
	[sflag:s23] =	ssyncadd.s32 $0xFFFFFF80  }
0x56: {  	[tilespmem:s24], [sflag:$0x5] =	stream.linear.gather [hbm4b:s17+s4], $0x80, $0x38;
	[tilespmem:$0x1EB00] =	vst v63  }
0x57: {  	_ =	swait.ge [sflag:s23], $0x80  }
0x58: {  	[sflag:s23] =	ssyncset.done $0x0  }
0x59: {  	[sflag:s23] =	ssyncadd.s32 $0xFFFFFF80  }
0x5a: {  	[tilespmem:s26], [sflag:$0x1] =	stream.indirect.gather [hbm4b:s1+s25], $0x80, s4, s25, $0xb8;
	[tilespmem:$0x1EB00] =	vst v63  }
0x5b: {  	s18 =	rddreg [dreg:$0x9]  }
0x5c: {  	[tilespmem:s25], [sflag:$0x4] =	stream.linear.gather [hbm4b:s18+s4], $0x80, $0x38;
	[tilespmem:$0x1EB00] =	vst v63  }
0x5d: {  	s21 =	rddreg [dreg:$0xa]  }
0x5e: {  	[tilespmem:s28], [sflag:$0x4] =	stream.linear.gather [hbm4b:s21+s4], $0x80, $0x38;
	[tilespmem:$0x1EB00] =	vst v63  }
0x5f: {  	s15 =	simm.s32 $0x0;
	s21 =	smov.u32 s14  }
.LBB2_2:
0x60: {  	_ =	swait.ge [sflag:s29], $0x80  }
0x61: {  	[sflag:s29] =	ssyncset.done $0x0  }
0x62: {  	[sflag:s29] =	ssyncadd.s32 $0xFFFFFF80  }
0x63: {  	_ =	swait.ge [sflag:s29], $0x80  }
0x64: {  	[sflag:s29] =	ssyncset.done $0x0  }
0x65: {  	[sflag:s29] =	ssyncadd.s32 $0xFFFFFF80  }
0x66: {  	[tilespmem:s30], [sflag:$0x2] =	stream.indirect.gather [hbm4b:s1+s25], $0x80, s25, s25, $0xb8;
	[tilespmem:$0x1EB00] =	vst v63  }
0x67: {  	_ =	swait.ge [sflag:s31], $0x4000  }
0x68: {  	[sflag:s31] =	ssyncset.done $0x0  }
0x69: {  	[sflag:s31] =	ssyncadd.s32 $0xFFFFC000  }
0x6a: {  	v1 =	vld [tilespmem:$0x100];
	_ =	sdelay $0x7  }
0x6b: {  	[tilespmem:v1+s22+$0x0] =	vst.idx.add.f32.msk $0xffff, v0  }
0x6c: {  	v1 =	vld [tilespmem:$0x110];
	_ =	sdelay $0x7  }
0x6d: {  	[tilespmem:v1+s22+$0x0] =	vst.idx.add.f32.msk $0xffff, v0  }
0x6e: {  	v1 =	vld [tilespmem:$0x120];
	_ =	sdelay $0x7  }
0x6f: {  	[tilespmem:v1+s22+$0x0] =	vst.idx.add.f32.msk $0xffff, v0  }
0x70: {  	v1 =	vld [tilespmem:$0x130];
	_ =	sdelay $0x7  }
0x71: {  	[tilespmem:v1+s22+$0x0] =	vst.idx.add.f32.msk $0xffff, v0  }
0x72: {  	v1 =	vld [tilespmem:$0x140];
	_ =	sdelay $0x7  }
0x73: {  	[tilespmem:v1+s22+$0x0] =	vst.idx.add.f32.msk $0xffff, v0  }
0x74: {  	v1 =	vld [tilespmem:$0x150];
	_ =	sdelay $0x7  }
0x75: {  	[tilespmem:v1+s22+$0x0] =	vst.idx.add.f32.msk $0xffff, v0  }
0x76: {  	v1 =	vld [tilespmem:$0x160];
	_ =	sdelay $0x7  }
0x77: {  	[tilespmem:v1+s22+$0x0] =	vst.idx.add.f32.msk $0xffff, v0  }
0x78: {  	v1 =	vld [tilespmem:$0x170];
	_ =	sdelay $0x7  }
0x79: {  	[tilespmem:v1+s22+$0x0] =	vst.idx.add.f32.msk $0xffff, v0  }
0x7a: {  	[spmem:s3] =	stream.indirect.scatter.add.f32 [tilespmem:s26], [sflag:$0x5], $0x80, s24, s25, $0xb8;
	[tilespmem:$0x1EB00] =	vst v63  }
0x7b: {  	p1 =	seq.s32 s15, $0x2600;
	_ =	swait.ge [sflag:s23], $0x4000  }
0x7c: {  	s16 =	sshrl.u32 @!p1 s21, $0x3;
	[sflag:s23] =	ssyncset.done $0x0  }
0x7d: {  	s18 =	simm.s32 @!p1 $0x0;
	s17 =	sadd.s32 @!p1 s6, s16;
	[sflag:s23] =	ssyncadd.s32 $0xFFFFC000  }
0x7e: {  	[tilespmem:s18], [sflag:$0x3] =	stream.linear.gather @!p1 [hbm4b:s17+s18], $0x80, $0x38;
	[tilespmem:$0x1EB00] =	vst v63  }
0x7f: {  	s16 =	sadd.s32 @!p1 s7, s16;
	s17 =	simm.s32 @!p1 $0x100  }
0x80: {  	[tilespmem:s17], [sflag:$0x3] =	stream.linear.gather @!p1 [hbm4b:s16+s18], $0x80, $0x38;
	[tilespmem:$0x1EB00] =	vst v63  }
0x81: {  	_ =	swait.ge [sflag:s0], $0x4000  }
0x82: {  	[sflag:s0] =	ssyncset.done $0x0  }
0x83: {  	[sflag:s0] =	ssyncadd.s32 $0xFFFFC000  }
0x84: {  	v1 =	vld [tilespmem:$0x180];
	_ =	sdelay $0x7  }
0x85: {  	[tilespmem:v1+s22+$0x0] =	vst.idx.add.f32.msk $0xffff, v0  }
0x86: {  	v1 =	vld [tilespmem:$0x190];
	_ =	sdelay $0x7  }
0x87: {  	[tilespmem:v1+s22+$0x0] =	vst.idx.add.f32.msk $0xffff, v0  }
0x88: {  	v1 =	vld [tilespmem:$0x1A0];
	_ =	sdelay $0x7  }
0x89: {  	[tilespmem:v1+s22+$0x0] =	vst.idx.add.f32.msk $0xffff, v0  }
0x8a: {  	v1 =	vld [tilespmem:$0x1B0];
	_ =	sdelay $0x7  }
0x8b: {  	[tilespmem:v1+s22+$0x0] =	vst.idx.add.f32.msk $0xffff, v0  }
0x8c: {  	v1 =	vld [tilespmem:$0x1C0];
	_ =	sdelay $0x7  }
0x8d: {  	[tilespmem:v1+s22+$0x0] =	vst.idx.add.f32.msk $0xffff, v0  }
0x8e: {  	v1 =	vld [tilespmem:$0x1D0];
	_ =	sdelay $0x7  }
0x8f: {  	[tilespmem:v1+s22+$0x0] =	vst.idx.add.f32.msk $0xffff, v0  }
0x90: {  	v1 =	vld [tilespmem:$0x1E0];
	_ =	sdelay $0x7  }
0x91: {  	[tilespmem:v1+s22+$0x0] =	vst.idx.add.f32.msk $0xffff, v0  }
0x92: {  	v1 =	vld [tilespmem:$0x1F0];
	_ =	sdelay $0x3  }
.Ltmp2:
0x93: {  	_ = 	snop;
	(pc) =	sbr.rel @p1 .LBB2_4-.Ltmp2, $2  }
0x94: {  	_ =	sdelay $0x2  }
0x95: {  	[tilespmem:v1+s22+$0x0] =	vst.idx.add.f32.msk $0xffff, v0  }
0x96: {  	_ =	swait.ge [sflag:s10], $0x80  }
0x97: {  	[sflag:s10] =	ssyncset.done $0x0  }
0x98: {  	[sflag:s10] =	ssyncadd.s32 $0xFFFFFF80  }
0x99: {  	_ =	swait.ge [sflag:s10], $0x80  }
0x9a: {  	[sflag:s10] =	ssyncset.done $0x0  }
0x9b: {  	[sflag:s10] =	ssyncadd.s32 $0xFFFFFF80  }
0x9c: {  	[tilespmem:s26], [sflag:$0x1] =	stream.indirect.gather [hbm4b:s1+s25], $0x80, s4, s25, $0xb8;
	[tilespmem:$0x1EB00] =	vst v63  }
0x9d: {  	_ = 	snop  }
0x9e: {  	[spmem:s3] =	stream.indirect.scatter.add.f32 [tilespmem:s30], [sflag:$0x5], $0x80, s28, s25, $0xb8;
	[tilespmem:$0x1EB00] =	vst v63  }
0x9f: {  	_ =	swait.ge [sflag:s23], $0x4000  }
.Ltmp3:
0xa0: {  	[sflag:s23] =	ssyncset.done $0x0;
	(pc) =	sbr.rel .LBB2_2-.Ltmp3, $4  }
0xa1: {  	s16 =	sadd.s32 s15, s20;
	[sflag:s23] =	ssyncadd.s32 $0xFFFFC000  }
0xa2: {  	[tilespmem:s25], [sflag:$0x4] =	stream.linear.gather [hbm4b:s16+s4], $0x80, $0x38;
	[tilespmem:$0x1EB00] =	vst v63  }
0xa3: {  	s18 =	sadd.s32 s15, s19;
	s15 =	sadd.s32 $0x100, s15;
	s21 =	sadd.s32 $0x800, s21  }
0xa4: {  	[tilespmem:s28], [sflag:$0x4] =	stream.linear.gather [hbm4b:s18+s4], $0x80, $0x38;
	[tilespmem:$0x1EB00] =	vst v63  }
.LBB2_5:
0xa5: {  	_ =	sfence.sel $0x180000  }
0xa6: {  	[bflag:$0x0] =	sbarrier.arrive $0xFFFF  }
0xa7: {  	_ =	strace $0x90000047  }
0xa8: {  	s0 =	stileid.u32;
	[bflag:$0x2] =	sbarrier.arrive $0xFFFF  }
0xa9: {  	p0 =	sne.s32 s0, $0x0;
	s0 =	rddreg [dreg:$0x4]  }
0xaa: {  	s0 =	sadd.s32 @!p0 $0x100000, s0  }
0xab: {  	[sflag:s0] =	ssyncadd.tile.s32 @!p0 $0x1;
	_ =	shalt  }
.Lfunc_end2:
_tile_overlayer_lowered:
.L_overlay_start_2:
0xac: {  	(tag) =	ssettag $0x2  }
0xad: {  	s0 =	rddreg [dreg:$0x0];
	s2 =	stileid.u32  }
0xae: {  	s1 =	rddreg [dreg:$0x1];
	p0 =	sne.s32 s2, $0x0  }
0xaf: {  	s3 =	rddreg [dreg:$0x2];
	[bflag:$0x3] =	sbarrier.arrive $0xFFFF;
	s2 =	simm.s32 @!p0 $0x1C05  }
0xb0: {  	[timem:s3], [sflag:s2] =	dma.local @!p0 [hbm:s0], s1  }
0xb1: {  	s0 =	simm.s32 @!p0 $0x5  }
0xb2: {  	_ =	swait.ge @!p0 [sflag:s0], s1  }
0xb3: {  	s1 =	ssub.s32 @!p0 $0x0, s1;
	[sflag:s0] =	ssyncset.done @!p0 $0x0  }
0xb4: {  	[sflag:s0] =	ssyncadd.s32 @!p0 s1  }
0xb5: {  	[bflag:$0x3] =	sbarrier.arrive $0xFFFF  }
0xb6: {  	_ =	shalt  }

// kernel: sage_agg2.3.cloned.1.call-start
scs
__scs_entry_jumppad:
0x0: {  	(pc) =	sbr.rel $0x88, $3  }
0x1: {  	(tag) =	ssettag $0x0;
	lr =	simm.s32 $0x1  }
0x2: {  	[smem:$0x3F99] =	sst lr;
	_ =	strace $0xD0000000  }
0x3: {  	_ = 	snop  }
0x4: {  	_ = 	snop  }
0x5: {  	_ = 	snop  }
0x6: {  	_ = 	snop  }
0x7: {  	_ = 	snop  }
__scs_overlays_trampoline_lowered:
0x8: {  	[smem:$0x3FA8] =	sst s0  }
0x9: {  	[smem:$0x3FA9] =	sst s1  }
0xa: {  	[smem:$0x3FAA] =	sst s2  }
0xb: {  	[smem:$0x3FAB] =	sst s3  }
0xc: {  	[smem:$0x3FAC] =	sst s4  }
0xd: {  	[smem:$0x3FAD] =	sst s5  }
0xe: {  	[smem:$0x3FAE] =	sst s6  }
0xf: {  	[smem:$0x3FAF] =	sst s7  }
0x10: {  	[smem:$0x3FB0] =	sst s8  }
0x11: {  	[smem:$0x3FB1] =	sst s9;
	s0 =	simm.s32 @!p0 $0x0  }
0x12: {  	s1 =	sld [smem:$0x3F97];
	s0 =	simm.s32 @p0 $0x1  }
0x13: {  	[smem:$0x3FB2] =	sst s0;
	s0 =	simm.s32 @!p1 $0x0  }
0x14: {  	s2 =	sld [smem:$0x3F96];
	s0 =	simm.s32 @p1 $0x1  }
0x15: {  	[smem:$0x3FB3] =	sst s0;
	s0 =	simm.s32 @!p2 $0x0  }
0x16: {  	s3 =	sld [smem:$0x3FDB];
	s0 =	simm.s32 @p2 $0x1  }
0x17: {  	s4 =	simm.s32 $0x1BF5;
	[smem:$0x3FB5] =	sst s0  }
0x18: {  	s0 =	sld [smem:$0x3F98];
	_ =	swait.ge [sflag:s4], $0x0  }
0x19: {  	s7 =	sld [smem:$0x3F99]  }
0x1a: {  	s8 =	sadd.s32 $0xFFFFE003, lr  }
0x1b: {  	s9 =	sadd.s32 $0xFFFFFEF7, lr;
	s5 =	simm.s32 $0xFFFFFFFF;
	p2 =	slt.u32 s8, $0xFFFFF086  }
0x1c: {  	p1 =	slt.u32 s9, $0xF7A;
	s5 =	simm.s32 @!p2 $0x0  }
0x1d: {  	s5 =	simm.s32 @p1 $0x1;
	p0 =	seq.s32 s7, s2  }
0x1e: {  	s7 =	smul.u32 @!p0 $0xF7A, s2;
	p2 =	seq.s32 @!p0 s5, $0x0  }
0x1f: {  	s9 =	smul.u32 $0xF7A, s1;
	s8 =	simm.s32 @!p0 $0x1BF5;
	p2 =	por !p2, p0  }
0x20: {  	[sflag:s8] =	ssyncset.s32 @!p0 $0xFFFFF086;
	s6 =	sadd.s32 @!p0 s3, s7;
	s7 =	simm.s32 @!p0 $0x108  }
0x21: {  	s3 =	sadd.s32 s3, s9;
	s6 =	sadd.s32 @!p0 $0x88, s6;
	s7 =	simm.s32 @p2 $0x1082  }
0x22: {  	[simem:s7], [sflag:s8] =	dma.local @!p0 [hbm:s6], $0xF7A  }
0x23: {  	s9 =	sor.u32 $0xD0000000, s2;
	s6 =	simm.s32 $0x108;
	_ =	swait.ge @!p0 [sflag:s8], $0x0  }
0x24: {  	s3 =	sadd.s32 $0x88, s3;
	s6 =	simm.s32 @!p1 $0x1082;
	[sflag:s4] =	ssyncset.s32 $0xFFFFF086  }
0x25: {  	[simem:s6], [sflag:s4] =	dma.local [hbm:s3], $0xF7A  }
0x26: {  	[smem:$0x3F99] =	sst s1;
	(tag) =	ssettag s2;
	_ =	strace s9  }
0x27: {  	s1 =	sld [smem:$0x3FA9]  }
0x28: {  	s2 =	sld [smem:$0x3FAA]  }
0x29: {  	s4 =	sld [smem:$0x3FAC]  }
0x2a: {  	p0 =	seq.s32 s5, $0x0;
	s5 =	sld [smem:$0x3FAD]  }
0x2b: {  	s6 =	sld [smem:$0x3FAE]  }
0x2c: {  	s7 =	sld [smem:$0x3FAF]  }
0x2d: {  	s3 =	simm.s32 $0x108;
	s8 =	sld [smem:$0x3FB0]  }
0x2e: {  	s3 =	simm.s32 @!p0 $0x1082;
	s9 =	sld [smem:$0x3FB1]  }
0x2f: {  	lr =	sadd.s32 s0, s3;
	s0 =	sld [smem:$0x3FA8]  }
0x30: {  	s3 =	sld [smem:$0x3FAB]  }
0x31: {  	[smem:$0x3FB4] =	sst s10  }
0x32: {  	s10 =	sld [smem:$0x3FB2];
	_ =	sdelay $0x3  }
0x33: {  	p0 =	seq.s32 s10, $0x1;
	s10 =	sld [smem:$0x3FB4];
	_ =	sdelay $0x3  }
0x34: {  	[smem:$0x3FB4] =	sst s10  }
0x35: {  	s10 =	sld [smem:$0x3FB3];
	_ =	sdelay $0x3  }
0x36: {  	p1 =	seq.s32 s10, $0x1;
	s10 =	sld [smem:$0x3FB4];
	_ =	sdelay $0x3  }
0x37: {  	[smem:$0x3FB4] =	sst s10  }
0x38: {  	s10 =	sld [smem:$0x3FB5]  }
0x39: {  	_ = 	snop;
	(pc) =	sbr.ind lr, $3  }
0x3a: {  	_ = 	snop  }
0x3b: {  	_ = 	snop  }
0x3c: {  	p2 =	seq.s32 s10, $0x1;
	s10 =	sld [smem:$0x3FB4]  }
0x3d: {  	_ =	shalt  }
0x3e: {  	_ =	shalt  }
0x3f: {  	_ =	shalt  }
0x40: {  	_ =	shalt  }
0x41: {  	_ =	shalt  }
0x42: {  	_ =	shalt  }
0x43: {  	_ =	shalt  }
0x44: {  	_ =	shalt  }
0x45: {  	_ =	shalt  }
0x46: {  	_ =	shalt  }
0x47: {  	_ =	shalt  }
0x48: {  	_ =	shalt  }
0x49: {  	_ =	shalt  }
0x4a: {  	_ =	shalt  }
0x4b: {  	_ =	shalt  }
0x4c: {  	_ =	shalt  }
0x4d: {  	_ =	shalt  }
0x4e: {  	_ =	shalt  }
0x4f: {  	_ =	shalt  }
0x50: {  	_ =	shalt  }
0x51: {  	_ =	shalt  }
0x52: {  	_ =	shalt  }
0x53: {  	_ =	shalt  }
0x54: {  	_ =	shalt  }
0x55: {  	_ =	shalt  }
0x56: {  	_ =	shalt  }
0x57: {  	_ =	shalt  }
0x58: {  	_ =	shalt  }
0x59: {  	_ =	shalt  }
0x5a: {  	_ =	shalt  }
0x5b: {  	_ =	shalt  }
0x5c: {  	_ =	shalt  }
0x5d: {  	_ =	shalt  }
0x5e: {  	_ =	shalt  }
0x5f: {  	_ =	shalt  }
0x60: {  	_ =	shalt  }
0x61: {  	_ =	shalt  }
0x62: {  	_ =	shalt  }
0x63: {  	_ =	shalt  }
0x64: {  	_ =	shalt  }
0x65: {  	_ =	shalt  }
0x66: {  	_ =	shalt  }
0x67: {  	_ =	shalt  }
0x68: {  	_ =	shalt  }
0x69: {  	_ =	shalt  }
0x6a: {  	_ =	shalt  }
0x6b: {  	_ =	shalt  }
0x6c: {  	_ =	shalt  }
0x6d: {  	_ =	shalt  }
0x6e: {  	_ =	shalt  }
0x6f: {  	_ =	shalt  }
0x70: {  	_ =	shalt  }
0x71: {  	_ =	shalt  }
0x72: {  	_ =	shalt  }
0x73: {  	_ =	shalt  }
0x74: {  	_ =	shalt  }
0x75: {  	_ =	shalt  }
0x76: {  	_ =	shalt  }
0x77: {  	_ =	shalt  }
0x78: {  	_ =	shalt  }
0x79: {  	_ =	shalt  }
0x7a: {  	_ =	shalt  }
0x7b: {  	_ =	shalt  }
0x7c: {  	_ =	shalt  }
0x7d: {  	_ =	shalt  }
0x7e: {  	_ =	shalt  }
0x7f: {  	_ =	shalt  }
0x80: {  	_ =	shalt  }
0x81: {  	_ =	shalt  }
0x82: {  	_ =	shalt  }
0x83: {  	_ =	shalt  }
0x84: {  	_ =	shalt  }
0x85: {  	_ =	shalt  }
0x86: {  	_ =	shalt  }
0x87: {  	_ =	shalt  }
.Lfunc_end0:
.L_simem_size_0:
called_computation.1_lowered:
.L_overlay_start_0:
0x88: {  	s2 =	sld [smem:$0x3FD9]  }
0x89: {  	s3 =	sld [smem:$0x3FFE];
	_ =	sdelay $0x1  }
0x8a: {  	s1 =	srdreg.scid  }
0x8b: {  	s0 =	sand.u32 $0x1, s1  }
0x8c: {  	s17 =	sshll.u32 s0, $0xA;
	s2 =	sadd.s32 s3, s2  }
0x8d: {  	s2 =	sadd.s32 s2, s17  }
0x8e: {  	[smem:$0x3FC0] =	sst s2  }
0x8f: {  	_ = 	snop  }
0x90: {  	s2 =	sld [smem:$0x3FD0];
	(tm) =	ssettm $0x1  }
0x91: {  	s18 =	sld [smem:$0x3FFB];
	_ =	sdelay $0x3  }
0x92: {  	_ =	strace s18  }
0x93: {  	s3 =	sld [smem:$0x3FFC];
	_ =	sdelay $0x3  }
0x94: {  	_ =	strace s3  }
0x95: {  	s3 =	sld [smem:$0x3FFD];
	_ =	sdelay $0x3  }
0x96: {  	_ =	strace s3  }
0x97: {  	_ =	strace $0x8FFFFFFF  }
0x98: {  	s19 =	sld [smem:$0x3FDB];
	_ =	sdelay $0x1  }
0x99: {  	s4 =	simm.s32 $_scs_section_size  }
0x9a: {  	s5 =	simm.s32 $_size__tile_overlayer_lowered;
	s6 =	simm.s32 $_tile_overlayer_lowered  }
0x9b: {  	s22 =	simm.s32 $0x1BFF;
	s21 =	sshll.u32 s6, $0x1;
	s3 =	sadd.s32 s4, s19  }
0x9c: {  	s7 =	simm.s32 $0x0;
	s20 =	sshll.u32 s5, $0x1;
	s5 =	sadd.s32 s21, s3  }
0x9d: {  	[timem:s7], [sflag:s22] =	dma.local [hbm:s5], s20  }
0x9e: {  	_ =	swait.ge [sflag:s22], s20  }
0x9f: {  	s4 =	ssub.s32 $0x0, s20;
	[sflag:s22] =	ssyncset.done $0x0  }
0xa0: {  	[sflag:s22] =	ssyncadd.s32 s4;
	_ =	sdelay $0x1  }
0xa1: {  	s23 =	simm.s32 $0x1B8B  }
0xa2: {  	_ =	swait.ge [sflag:s23], $0x1  }
0xa3: {  	[sflag:s23] =	ssyncset.done $0x0  }
0xa4: {  	s25 =	simm.s32 $0x1B8E;
	s24 =	sld [smem:$0x3FFE];
	[sflag:s23] =	ssyncadd.s32 $0xFFFFFFFF  }
0xa5: {  	s26 =	simm.s32 $execute0_lowered;
	[smem:$0x3FD2] =	sst s25  }
0xa6: {  	s5 =	sshll.u32 s26, $0x1;
	_ =	strace $0x80000049;
	[dreg:$0x1] =	wrdreg $0xFFFFFFFF  }
0xa7: {  	s28 =	simm.s32 $_size_execute0_lowered;
	s3 =	sadd.s32 s3, s5;
	[dreg:$0x0] =	wrdreg $0x0  }
0xa8: {  	s5 =	sshll.u32 s28, $0x1;
	[dreg:$0x2] =	wrdreg s3  }
0xa9: {  	[dreg:$0x3] =	wrdreg s5  }
0xaa: {  	[dreg:$0x4] =	wrdreg $0xC0  }
0xab: {  	_ =	task [dreg:s7], $0x5FFFF  }
0xac: {  	[dreg:$0x1] =	wrdreg $0xFFFFFFFF  }
0xad: {  	[dreg:$0x0] =	wrdreg $0x60  }
0xae: {  	[dreg:$0x2] =	wrdreg s2  }
0xaf: {  	[dreg:$0x3] =	wrdreg s24  }
0xb0: {  	[dreg:$0x4] =	wrdreg $0x9  }
0xb1: {  	_ =	task.clear_ibuf [dreg:s7], $0x5FFFF;
	_ =	strace $0x90000049  }
0xb2: {  	s29 =	simm.s32 $0x9;
	_ =	strace $0x8000004B  }
0xb3: {  	_ =	swait.ge [sflag:s29], $0x1  }
0xb4: {  	[sflag:s29] =	ssyncadd.s32 $0xFFFFFFFF  }
0xb5: {  	_ =	strace $0x9000004B  }
0xb6: {  	_ =	sfence  }
0xb7: {  	s30 =	sld [smem:$0x0];
	_ =	sdelay $0x2  }
0xb8: {  	s31 =	sshll.u32 s1, $0xD;
	s1 =	sshrl.u32 s1, $0x2  }
0xb9: {  	s3 =	sand.u32 $0x4000, s31;
	s1 =	sadd.s32 s1, s30  }
0xba: {  	s0 =	sor.u32 s3, s0;
	s1 =	sshll.u32 s1, $0x11  }
0xbb: {  	s0 =	sor.u32 s1, s0  }
0xbc: {  	s0 =	sadd.s32 $0x8F2B, s0  }
0xbd: {  	[sflag:s0] =	ssyncadd.remote.s32 $0x1  }
0xbe: {  	_ =	sfence.sel $0xFFFF  }
0xbf: {  	[dreg:$0x0] =	wrdreg $0xFFFFFFFF;
	(pc) =	sbr.abs _section_cstart, $3  }
0xc0: {  	[dreg:$0x1] =	wrdreg $0xFFFFFFFF  }
0xc1: {  	_ =	task.clear_ibuf [dreg:s7], $0x2FFFF;
	_ =	strace $0x9FFFFFFF  }
0xc2: {  	(tm) =	ssettm $0x7FFFFFFF  }
0xc3: {  	_ =	shalt  }
tec
execute0_lowered:
.L_overlay_start_1:
0x0: {  	(tag) =	ssettag $0x1  }
0x1: {  	s2 =	rddreg [dreg:$0x0]  }
0x2: {  	s0 =	srdreg.scid;
	s6 =	rddreg [dreg:$0x1];
	s3 =	simm.s32 $0x0  }
0x3: {  	s12 =	simm.s32 $0x9D80;
	s13 =	simm.s32 $0x80;
	s14 =	simm.s32 $0x400  }
0x4: {  	s15 =	simm.s32 $0x2780;
	s16 =	simm.s32 $0x1;
	s5 =	sand.u32 $0x1, s0  }
0x5: {  	s17 =	simm.s32 $0x2;
	s0 =	stileid.u32;
	s1 =	sshll.u32 s5, $0x4  }
0x6: {  	s18 =	simm.s32 $0x0;
	[smem:$0x7FF] =	sst s3;
	s1 =	sor.u32 s0, s1  }
0x7: {  	s7 =	sshll.u32 s0, $0x7;
	s31 =	ssub.s32 $0x2, s5;
	s4 =	sshrl.u32 s1, $0x3  }
0x8: {  	s5 =	sadd.s32 $0x15600, s6;
	s7 =	sand.u32 $0x380, s7;
	s8 =	smul.u32 $0x13C00, s4  }
0x9: {  	s10 =	sshrl.u32 s31, $0x1;
	s1 =	rddreg [dreg:$0x2];
	s9 =	smul.u32 $0x27400, s4  }
0xa: {  	_ =	strace $0x8000004A;
	s4 =	sadd.s32 $0x15000, s6;
	s8 =	sor.u32 s7, s8  }
0xb: {  	s7 =	sor.u32 s7, s9;
	s9 =	ssub.s32 s31, s10;
	s8 =	sshrl.u32 s8, $0x3  }
0xc: {  	s10 =	simm.s32 $0x4F00;
	s7 =	sshrl.u32 s7, $0x3;
	s8 =	sadd.s32 s8, s6  }
0xd: {  	s9 =	smax.u32 s9, $0x1;
	s11 =	sadd.s32 s7, s6;
	s6 =	sadd.s32 $0x1400, s8  }
0xe: {  	s7 =	sadd.s32 $0xB200, s8;
	s8 =	sadd.s32 $0x16000, s11;
	s11 =	simm.s32 $0x7610  }
.LBB2_1:
0xf: {  	[tilespmem:s10], [sflag:$0x1] =	stream.linear.gather [hbm4b:s2+s3], $0x2710, $0x38;
	[tilespmem:$0xEC00] =	vst v63  }
0x10: {  	_ = 	snop  }
0x11: {  	[tilespmem:s11], [sflag:$0x1] =	stream.linear.gather [hbm4b:s4+s3], $0x2710, $0x38;
	[tilespmem:$0xEC00] =	vst v63  }
0x12: {  	_ = 	snop  }
0x13: {  	[tilespmem:s12], [sflag:$0x1] =	stream.linear.gather [hbm4b:s5+s3], $0x4E80, $0x38;
	[tilespmem:$0xEC00] =	vst v63  }
0x14: {  	_ = 	snop  }
0x15: {  	[tilespmem:s3], [sflag:$0x1] =	stream.strided.gather [hbm4b:s6+s13], $0x2780, s14, s13, $0x38;
	[tilespmem:$0xEC00] =	vst v63  }
0x16: {  	_ = 	snop  }
0x17: {  	[tilespmem:s15], [sflag:$0x1] =	stream.strided.gather [hbm4b:s7+s13], $0x2780, s14, s13, $0x38;
	[tilespmem:$0xEC00] =	vst v63  }
0x18: {  	_ =	swait.ge [sflag:s16], $0x2710  }
0x19: {  	[sflag:s16] =	ssyncset.done $0x0  }
0x1a: {  	[sflag:s16] =	ssyncadd.s32 $0xFFFFD8F0  }
0x1b: {  	_ =	swait.ge [sflag:s16], $0x2710  }
0x1c: {  	[sflag:s16] =	ssyncset.done $0x0  }
0x1d: {  	[sflag:s16] =	ssyncadd.s32 $0xFFFFD8F0  }
0x1e: {  	_ =	swait.ge [sflag:s16], $0x4E80  }
0x1f: {  	[sflag:s16] =	ssyncset.done $0x0  }
0x20: {  	[sflag:s16] =	ssyncadd.s32 $0xFFFFB180  }
0x21: {  	_ =	swait.ge [sflag:s16], $0x2780  }
0x22: {  	[sflag:s16] =	ssyncset.done $0x0  }
0x23: {  	[sflag:s16] =	ssyncadd.s32 $0xFFFFD880  }
0x24: {  	_ =	swait.ge [sflag:s16], $0x2780  }
0x25: {  	[sflag:s16] =	ssyncset.done $0x0  }
0x26: {  	s20 =	simm.s32 $0x0;
	s19 =	simm.s32 $0x40;
	[sflag:s16] =	ssyncadd.s32 $0xFFFFD880  }
.LBB2_2:
0x27: {  	p0 =	sne.s32 s19, $0x9C00;
	v0 =	vld [tilespmem:s20+$0x0]  }
0x28: {  	v1 =	vld [tilespmem:s20+$0x2780];
	_ =	sdelay $0x6  }
0x29: {  	v2 =	vld.idx.msk [tilespmem:v0+s10+$0x0], $0xffff;
	_ =	sdelay $0x1  }
0x2a: {  	v0 =	vadd.s32 $0x2710, v0;
	_ =	sdelay $0x3  }
0x2b: {  	[tilespmem:v1+s12+$0x0] =	vst.idx.add.f32.msk $0xffff, v2  }
0x2c: {  	v0 =	vld.idx.msk [tilespmem:v0+s10+$0x0], $0xffff  }
0x2d: {  	v1 =	vadd.s32 $0x2710, v1  }
.Ltmp0:
0x2e: {  	(pc) =	sbr.rel @p0 .LBB2_2-.Ltmp0, $2  }
0x2f: {  	_ =	sdelay $0x2  }
0x30: {  	s20 =	sshra.s32 s19, $0x2;
	s19 =	sadd.s32 $0x40, s19;
	[tilespmem:v1+s12+$0x0] =	vst.idx.add.f32.msk $0xffff, v0  }
0x31: {  	v0 =	vld [tilespmem:s20+$0x0];
	_ =	sdelay $0x4  }
0x32: {  	v1 =	vld [tilespmem:s20+$0x2780];
	_ =	sdelay $0x2  }
0x33: {  	v2 =	vld.idx.msk [tilespmem:v0+s10+$0x0], $0xffff  }
0x34: {  	v0 =	vadd.s32 $0x2710, v0;
	_ =	sdelay $0x3  }
0x35: {  	[tilespmem:v1+s12+$0x0] =	vst.idx.add.f32.msk $0xffff, v2  }
0x36: {  	v1 =	vadd.s32 $0x2710, v1;
	v0 =	vld.idx.msk [tilespmem:v0+s10+$0x0], $0xffff;
	_ =	sdelay $0x2  }
0x37: {  	s18 =	sadd.s32 $0x1, s18  }
0x38: {  	p0 =	sne.s32 s18, s9  }
.Ltmp1:
0x39: {  	[tilespmem:v1+s12+$0x0] =	vst.idx.add.f32.msk $0xffff, v0;
	(pc) =	sbr.rel @p0 .LBB2_1-.Ltmp1, $4  }
0x3a: {  	[hbm4b:s8+s13] =	stream.strided.scatter [tilespmem:s12], [sflag:$0x2], $0x4E80, s14, s13, $0x38;
	[tilespmem:$0xEC00] =	vst v63  }
0x3b: {  	_ =	swait.ge [sflag:s17], $0x4E80  }
0x3c: {  	[sflag:s17] =	ssyncset.done $0x0  }
0x3d: {  	[sflag:s17] =	ssyncadd.s32 $0xFFFFB180  }
0x3e: {  	_ =	sfence.sel $0x180000  }
0x3f: {  	[bflag:$0x0] =	sbarrier.arrive $0xFFFF  }
0x40: {  	p0 =	sne.s32 s0, $0x0;
	_ =	strace $0x9000004A  }
0x41: {  	s0 =	sadd.s32 @!p0 $0x100000, s1;
	[bflag:$0x2] =	sbarrier.arrive $0xFFFF  }
0x42: {  	[sflag:s0] =	ssyncadd.tile.s32 @!p0 $0x1;
	_ =	shalt  }
.Lfunc_end2:
_tile_overlayer_lowered:
.L_overlay_start_2:
0x43: {  	(tag) =	ssettag $0x2  }
0x44: {  	s0 =	rddreg [dreg:$0x0];
	s2 =	stileid.u32  }
0x45: {  	s1 =	rddreg [dreg:$0x1];
	p0 =	sne.s32 s2, $0x0  }
0x46: {  	s3 =	rddreg [dreg:$0x2];
	[bflag:$0x3] =	sbarrier.arrive $0xFFFF;
	s2 =	simm.s32 @!p0 $0x1C02  }
0x47: {  	[timem:s3], [sflag:s2] =	dma.local @!p0 [hbm:s0], s1  }
0x48: {  	s0 =	simm.s32 @!p0 $0x2  }
0x49: {  	_ =	swait.ge @!p0 [sflag:s0], s1  }
0x4a: {  	s1 =	ssub.s32 @!p0 $0x0, s1;
	[sflag:s0] =	ssyncset.done @!p0 $0x0  }
0x4b: {  	[sflag:s0] =	ssyncadd.s32 @!p0 s1  }
0x4c: {  	[bflag:$0x3] =	sbarrier.arrive $0xFFFF  }
0x4d: {  	_ =	shalt  }

</sc_bundles>
